<compile_context>
chip_gen: v7x
topology: tpu7x:2x2x1
jax: 0.10.2.dev20260603
libtpu: 0.0.44.dev20260713+nightly
codegen_flags: <defaults>
</compile_context>

<pallas_src>
import functools

import jax
import jax.numpy as jnp
from jax import lax
from jax.experimental import pallas as pl
from jax.experimental.pallas import tpu as pltpu
from jax.experimental.pallas import tpu_sc as plsc

TT, NN, EE = 8, 50000, 800000
IN_DIM, HID = 15, 64

NCORE, NSUB = 2, 16
NWORK = NCORE * NSUB
N_PAD = 51200
E_PAD = 819200
W_EDGES = E_PAD // NWORK
CH = 2560
NCHUNK = W_EDGES // CH
ROWS_A = N_PAD // NSUB
ZROWS = 800
N_HALF = N_PAD // NCORE
TRASH = N_HALF
NTRASH = 256
ACC_ROWS = N_HALF + NTRASH + 8
SUB_ROWS = N_HALF // NSUB
W_A = E_PAD // NSUB
NCHUNK_A = W_A // CH

_MESH = plsc.VectorSubcoreMesh(
    core_axis_name="c", subcore_axis_name="s", num_cores=NCORE)


@functools.partial(
    pl.kernel,
    out_type=jax.ShapeDtypeStruct((TT, N_PAD, 16), jnp.float32),
    mesh=_MESH,
    compiler_params=pltpu.CompilerParams(use_tc_tiling_on_sc=False),
    scratch_types=[
        pltpu.VMEM((CH,), jnp.int32),
        pltpu.VMEM((CH,), jnp.int32),
        pltpu.VMEM((CH, 16), jnp.float32),
        pltpu.VMEM((CH,), jnp.int32),
        pltpu.VMEM((CH,), jnp.int32),
        pltpu.VMEM((CH, 16), jnp.float32),
        pltpu.VMEM((ZROWS, 16), jnp.float32),
        pltpu.VMEM_SHARED((ACC_ROWS, 16), jnp.float32),
        pltpu.SemaphoreType.DMA,
        pltpu.SemaphoreType.DMA,
    ],
)
def _seg_sum(xflat, srcabs, dstm, out, src0, dst0, rows0, src1, dst1, rows1,
             zero_v, acc, sem0, sem1):
    c = lax.axis_index("c")
    s = lax.axis_index("s")
    lo = c * N_HALF

    def _zb(i, _):
        zero_v[i, :] = jnp.zeros((16,), jnp.float32)
        return _
    lax.fori_loop(0, ZROWS, _zb, None)

    def _remap(dst_v):
        def _rm(i, _):
            x = dst_v[pl.ds(i * 16, 16)]
            d = x - lo
            ok = (d >= 0) & (d < N_HALF)
            dst_v[pl.ds(i * 16, 16)] = jnp.where(ok, d, TRASH + (x & (NTRASH - 1)))
            return _
        lax.fori_loop(0, CH // 16, _rm, None)

    def _tbody(t, _):
        for z in range(SUB_ROWS // ZROWS):
            pltpu.sync_copy(zero_v, acc.at[pl.ds(s * SUB_ROWS + z * ZROWS, ZROWS)])
        plsc.subcore_barrier()
        ebase = s * W_A

        pltpu.sync_copy(srcabs.at[t, pl.ds(ebase, CH)], src0)
        pltpu.sync_copy(dstm.at[t, pl.ds(ebase, CH)], dst0)
        pltpu.async_copy(xflat.at[src0], rows0, sem0)

        def _pair(j, _):
            b1 = ebase + (2 * j + 1) * CH
            pltpu.sync_copy(srcabs.at[t, pl.ds(b1, CH)], src1)
            pltpu.sync_copy(dstm.at[t, pl.ds(b1, CH)], dst1)
            pltpu.async_copy(xflat.at[src1], rows1, sem1)
            _remap(dst0)
            pltpu.make_async_copy(xflat.at[src0], rows0, sem0).wait()
            pltpu.sync_copy(rows0, acc.at[dst0], add=True)
            @pl.when(j + 1 < NCHUNK_A // 2)
            def _():
                b2 = ebase + (2 * j + 2) * CH
                pltpu.sync_copy(srcabs.at[t, pl.ds(b2, CH)], src0)
                pltpu.sync_copy(dstm.at[t, pl.ds(b2, CH)], dst0)
                pltpu.async_copy(xflat.at[src0], rows0, sem0)
            _remap(dst1)
            pltpu.make_async_copy(xflat.at[src1], rows1, sem1).wait()
            pltpu.sync_copy(rows1, acc.at[dst1], add=True)
            return _
        lax.fori_loop(0, NCHUNK_A // 2, _pair, None)
        plsc.subcore_barrier()
        pltpu.sync_copy(acc.at[pl.ds(s * SUB_ROWS, SUB_ROWS)],
                        out.at[t, pl.ds(c * N_HALF + s * SUB_ROWS, SUB_ROWS)])
        return _
    lax.fori_loop(0, TT, _tbody, None)


@functools.partial(
    pl.kernel,
    out_type=jax.ShapeDtypeStruct((TT, NCORE, N_PAD), jnp.float32),
    mesh=_MESH,
    compiler_params=pltpu.CompilerParams(use_tc_tiling_on_sc=False),
    scratch_types=[
        pltpu.VMEM((CH,), jnp.int32),
        pltpu.VMEM((CH,), jnp.int32),
        pltpu.VMEM((CH,), jnp.float32),
        pltpu.VMEM((CH,), jnp.int32),
        pltpu.VMEM((CH,), jnp.int32),
        pltpu.VMEM((CH,), jnp.float32),
        pltpu.VMEM((ROWS_A,), jnp.float32),
        pltpu.VMEM((ROWS_A,), jnp.float32),
        pltpu.VMEM_SHARED((N_PAD,), jnp.float32),
        pltpu.VMEM_SHARED((N_PAD,), jnp.float32),
        pltpu.SemaphoreType.DMA,
        pltpu.SemaphoreType.DMA,
    ],
)
def _q_pass(invcnt, srcp, dstm, out, src0, dst0, w0, src1, dst1, w1,
            stage_v, zero_v, inv_sh, q_sh, sem0, sem1):
    c = lax.axis_index("c")
    s = lax.axis_index("s")
    w = s * NCORE + c

    def _zb(i, _):
        zero_v[pl.ds(i * 16, 16)] = jnp.zeros((16,), jnp.float32)
        return _
    lax.fori_loop(0, ROWS_A // 16, _zb, None)

    def _tbody(t, _):
        pltpu.sync_copy(invcnt.at[t, 0, pl.ds(s * ROWS_A, ROWS_A)], stage_v)
        pltpu.sync_copy(stage_v, inv_sh.at[pl.ds(s * ROWS_A, ROWS_A)])
        pltpu.sync_copy(zero_v, q_sh.at[pl.ds(s * ROWS_A, ROWS_A)])
        plsc.subcore_barrier()
        ebase = w * W_EDGES

        pltpu.sync_copy(srcp.at[t, pl.ds(ebase, CH)], src0)
        pltpu.sync_copy(dstm.at[t, pl.ds(ebase, CH)], dst0)
        pltpu.async_copy(inv_sh.at[dst0], w0, sem0)

        def _pair(j, _):
            b1 = ebase + (2 * j + 1) * CH
            pltpu.sync_copy(srcp.at[t, pl.ds(b1, CH)], src1)
            pltpu.sync_copy(dstm.at[t, pl.ds(b1, CH)], dst1)
            pltpu.async_copy(inv_sh.at[dst1], w1, sem1)
            pltpu.make_async_copy(inv_sh.at[dst0], w0, sem0).wait()
            pltpu.sync_copy(w0, q_sh.at[src0], add=True)

            @pl.when(j + 1 < NCHUNK // 2)
            def _():
                b2 = ebase + (2 * j + 2) * CH
                pltpu.sync_copy(srcp.at[t, pl.ds(b2, CH)], src0)
                pltpu.sync_copy(dstm.at[t, pl.ds(b2, CH)], dst0)
                pltpu.async_copy(inv_sh.at[dst0], w0, sem0)

            pltpu.make_async_copy(inv_sh.at[dst1], w1, sem1).wait()
            pltpu.sync_copy(w1, q_sh.at[src1], add=True)
            return _
        lax.fori_loop(0, NCHUNK // 2, _pair, None)
        plsc.subcore_barrier()
        pltpu.sync_copy(q_sh.at[pl.ds(s * ROWS_A, ROWS_A)],
                        out.at[t, c, pl.ds(s * ROWS_A, ROWS_A)])
        return _
    lax.fori_loop(0, TT, _tbody, None)


NB_B = 2048
NBLK_B = N_PAD // NB_B


def _inv_body(part_ref, inv_ref):
    cnt = part_ref[...][:, :, 15]
    inv_ref[...] = (1.0 / jnp.maximum(cnt, 1.0))[:, None, :]


NB_D = 2048
NBLK_D = N_PAD // NB_D


def _dense_body(xp_ref, part_ref, inv_ref, q_ref, w1l_ref, b1_ref, w1r_ref,
                u_ref, v_ref):
    nb = pl.program_id(1)
    xb = xp_ref[0]
    s16 = part_ref[0]
    inv = inv_ref[0, 0][:, None]
    agg = s16 * inv
    h1 = agg @ w1l_ref[...] + xb @ w1r_ref[...] + b1_ref[...]
    h1 = jnp.maximum(h1, 0.0)
    row = nb * NB_D + lax.broadcasted_iota(jnp.int32, (NB_D, 1), 0)
    h1 = jnp.where(row < NN, h1, 0.0)
    qs = jnp.sum(q_ref[0], axis=0, keepdims=True)
    u_c = jnp.dot(qs, h1, preferred_element_type=jnp.float32)
    v_c = jnp.sum(h1, axis=0, keepdims=True)

    @pl.when(nb == 0)
    def _():
        u_ref[...] = jnp.zeros_like(u_ref)
        v_ref[...] = jnp.zeros_like(v_ref)

    u_ref[...] += u_c[None]
    v_ref[...] += v_c[None]


def _head_body(u_ref, v_ref, w2l_ref, b2_ref, w2r_ref, wih_ref, whh_ref,
               bih_ref, bhh_ref, w3_ref, b3_ref, w4_ref, b4_ref, out_ref):
    scale = 1.0 / NN
    emb = (u_ref[...] * scale) @ w2l_ref[...] + b2_ref[...] \
        + (v_ref[...] * scale) @ w2r_ref[...]
    gi_all = emb @ wih_ref[...] + bih_ref[...]
    h = jnp.zeros((1, HID), jnp.float32)
    for t in range(TT):
        gi = gi_all[t:t + 1, :]
        gh = h @ whh_ref[...] + bhh_ref[...]
        r = jax.nn.sigmoid(gi[:, :HID] + gh[:, :HID])
        z = jax.nn.sigmoid(gi[:, HID:2 * HID] + gh[:, HID:2 * HID])
        n_ = jnp.tanh(gi[:, 2 * HID:] + r * gh[:, 2 * HID:])
        h = (1.0 - z) * n_ + z * h
    hid = jnp.maximum(h @ w3_ref[...] + b3_ref[...], 0.0)
    out_ref[...] = hid @ w4_ref[...] + b4_ref[...]


def kernel(x, edge_index, W1l, b1, W1r, W2l, b2, W2r,
           W_ih, W_hh, b_ih, b_hh, W3, b3, W4, b4):
    f32 = jnp.float32
    xpad = jnp.zeros((TT, N_PAD, 16), f32)
    xpad = xpad.at[:, :NN, :IN_DIM].set(x)
    xpad = xpad.at[:, :NN, 15].set(1.0)
    pad_ids = jnp.arange(E_PAD - EE, dtype=jnp.int32)
    pad_src = jnp.broadcast_to(NN + pad_ids % (N_PAD - NN), (TT, E_PAD - EE))
    pad_dst = jnp.broadcast_to(pad_ids % N_PAD, (TT, E_PAD - EE))
    srcp = jnp.concatenate([edge_index[:, 0, :], pad_src], axis=1)
    dstm = jnp.concatenate([edge_index[:, 1, :], pad_dst], axis=1)
    srcabs = srcp + (jnp.arange(TT, dtype=jnp.int32) * N_PAD)[:, None]
    xflat = xpad.reshape(TT * N_PAD, 16)

    part = _seg_sum(xflat, srcabs, dstm)

    invcnt = pl.pallas_call(
        _inv_body,
        grid=(TT, NBLK_B),
        in_specs=[pl.BlockSpec((1, NB_B, 16), lambda t, nb: (t, nb, 0))],
        out_specs=pl.BlockSpec((1, 1, NB_B), lambda t, nb: (t, 0, nb)),
        out_shape=jax.ShapeDtypeStruct((TT, 1, N_PAD), f32),
    )(part)

    qpart = _q_pass(invcnt, srcp, dstm)

    w1l_p = jnp.zeros((16, HID), f32).at[:IN_DIM].set(W1l.T)
    w1r_p = jnp.zeros((16, HID), f32).at[:IN_DIM].set(W1r.T)
    u, v = pl.pallas_call(
        _dense_body,
        grid=(TT, NBLK_D),
        in_specs=[
            pl.BlockSpec((1, NB_D, 16), lambda t, nb: (t, nb, 0)),
            pl.BlockSpec((1, NB_D, 16), lambda t, nb: (t, nb, 0)),
            pl.BlockSpec((1, 1, NB_D), lambda t, nb: (t, 0, nb)),
            pl.BlockSpec((1, NCORE, NB_D), lambda t, nb: (t, 0, nb)),
            pl.BlockSpec((16, HID), lambda t, nb: (0, 0)),
            pl.BlockSpec((1, HID), lambda t, nb: (0, 0)),
            pl.BlockSpec((16, HID), lambda t, nb: (0, 0)),
        ],
        out_specs=[
            pl.BlockSpec((1, 1, HID), lambda t, nb: (t, 0, 0)),
            pl.BlockSpec((1, 1, HID), lambda t, nb: (t, 0, 0)),
        ],
        out_shape=[
            jax.ShapeDtypeStruct((TT, 1, HID), f32),
            jax.ShapeDtypeStruct((TT, 1, HID), f32),
        ],
    )(xpad, part, invcnt, qpart, w1l_p, b1[None, :], w1r_p)
    u = u[:, 0, :]
    v = v[:, 0, :]

    w4_p = jnp.zeros((32, 8), f32).at[:, :3].set(W4.T)
    b4_p = jnp.zeros((1, 8), f32).at[0, :3].set(b4)
    logits8 = pl.pallas_call(
        _head_body,
        out_shape=jax.ShapeDtypeStruct((1, 8), f32),
    )(u, v, W2l.T, b2[None, :], W2r.T, W_ih.T, W_hh.T,
      b_ih[None, :], b_hh[None, :], W3.T, b3[None, :], w4_p, b4_p)
    return logits8[:, :3]

# --- scband reference (transcript-rebuilt; emitter-appended) ---
"""Pipeline reference for scband-mischief-gnn-10771777978427 (READ-ONLY COPY).

The authoritative reference and input builder live on the scoring server;
editing this copy changes nothing except your own understanding.
"""

import jax, jax.numpy as jnp
import numpy as np

T, N, E = 8, 50000, 800000
IN_DIM, H = 15, 64


def setup_inputs(seed: int = 0) -> dict:
    key = jax.random.key(seed)
    ks = jax.random.split(key, 18)
    p = lambda k, shape: (jax.random.normal(k, shape, dtype=jnp.float32) * 0.1)
    inp = {}
    inp['x'] = jax.random.normal(ks[0], (T, N, IN_DIM), dtype=jnp.float32)
    inp['edge_index'] = jax.random.randint(ks[1], (T, 2, E), 0, N, dtype=jnp.int32)
    # SAGEConv 1: out = lin_l(mean_aggr(x_j)) + lin_r(x_i); bias on lin_l
    inp['W1l'] = p(ks[2], (H, IN_DIM))
    inp['b1'] = p(ks[3], (H,))
    inp['W1r'] = p(ks[4], (H, IN_DIM))
    # SAGEConv 2
    inp['W2l'] = p(ks[5], (H, H))
    inp['b2'] = p(ks[6], (H,))
    inp['W2r'] = p(ks[7], (H, H))
    # GRU (single layer)
    inp['W_ih'] = p(ks[8], (3 * H, H))
    inp['W_hh'] = p(ks[9], (3 * H, H))
    inp['b_ih'] = p(ks[10], (3 * H,))
    inp['b_hh'] = p(ks[11], (3 * H,))
    # classifier: Linear(H,32) -> ReLU -> Linear(32,3)
    inp['W3'] = p(ks[12], (32, H))
    inp['b3'] = p(ks[13], (32,))
    inp['W4'] = p(ks[14], (3, 32))
    inp['b4'] = p(ks[15], (3,))
    return inp


def _sage(x_t, src, dst, Wl, b, Wr, n_nodes):
    msgs = jnp.take(x_t, src, axis=0)
    s = jax.ops.segment_sum(msgs, dst, num_segments=n_nodes)
    cnt = jax.ops.segment_sum(jnp.ones((src.shape[0],), x_t.dtype), dst, num_segments=n_nodes)
    agg = s / jnp.clip(cnt, 1.0)[:, None]
    return agg @ Wl.T + b + x_t @ Wr.T


def reference(x, edge_index, W1l, b1, W1r, W2l, b2, W2r, W_ih, W_hh, b_ih, b_hh, W3, b3, W4, b4):
    embs = []
    for t in range(T):
        src = edge_index[t, 0]
        dst = edge_index[t, 1]
        h1 = jax.nn.relu(_sage(x[t], src, dst, W1l, b1, W1r, N))
        h2 = _sage(h1, src, dst, W2l, b2, W2r, N)
        embs.append(h2.mean(axis=0))
    seq = jnp.stack(embs)  # [T, H]
    h = jnp.zeros((H,), dtype=jnp.float32)
    for t in range(T):
        gi = W_ih @ seq[t] + b_ih
        gh = W_hh @ h + b_hh
        r = jax.nn.sigmoid(gi[:H] + gh[:H])
        z = jax.nn.sigmoid(gi[H:2 * H] + gh[H:2 * H])
        n_ = jnp.tanh(gi[2 * H:] + r * gh[2 * H:])
        h = (1.0 - z) * n_ + z * h
    hid = jax.nn.relu(h @ W3.T + b3)
    logits = hid @ W4.T + b4
    return logits[None, :]  # [1, 3]

if __name__ == "__main__":
    import jax
    _d = setup_inputs()
    print(jax.jit(kernel)(*tuple(_d.values())))

</pallas_src>

<mosaic_0001>
#map = affine_map<(d0, d1) -> (0, 0)>
#map1 = affine_map<(d0, d1) -> (0, 0, 0)>
module attributes {stable_mosaic.version = 14 : i64} {
  func.func @_seg_sum(%arg0: i32, %arg1: i32, %arg2: memref<409600x16xf32, #tpu.memory_space<hbm>>, %arg3: memref<8x819200xi32, #tpu.memory_space<hbm>>, %arg4: memref<8x819200xi32, #tpu.memory_space<hbm>>, %arg5: memref<8x51200x16xf32, #tpu.memory_space<hbm>>, %arg6: memref<2560xi32, #tpu.memory_space<vmem>>, %arg7: memref<2560xi32, #tpu.memory_space<vmem>>, %arg8: memref<2560x16xf32, #tpu.memory_space<vmem>>, %arg9: memref<2560xi32, #tpu.memory_space<vmem>>, %arg10: memref<2560xi32, #tpu.memory_space<vmem>>, %arg11: memref<2560x16xf32, #tpu.memory_space<vmem>>, %arg12: memref<800x16xf32, #tpu.memory_space<vmem>>, %arg13: memref<25864x16xf32, #tpu.memory_space<vmem_shared>>, %arg14: memref<!tpu.dma_semaphore, #tpu.memory_space<semaphore_mem>>, %arg15: memref<!tpu.dma_semaphore, #tpu.memory_space<semaphore_mem>>) attributes {dimension_semantics = [#tpu.dimension_semantics<core_parallel>, #tpu.dimension_semantics<subcore_parallel>], iteration_bounds = array<i64: 2, 16>, scalar_prefetch = 0 : i64, scratch_operands = 10 : i64, tpu.core_type = #tpu.core_type<sc_vector_subcore>, window_params = [{transform_indices = #map}, {transform_indices = #map}, {transform_indices = #map}, {transform_indices = #map1}]} {
    %mul3A = arith.constant 25600 : i32
    %mul3A_0 = arith.muli %arg0, %mul3A : i32
    %scan3A = arith.constant 0 : i32
    %scan3A_1 = arith.constant 800 : i32
    %scan3A_2 = arith.addi %scan3A, %scan3A_1 : i32
    %scan3A_3 = arith.constant 1 : i32
    scf.for %scan3A_10 = %scan3A to %scan3A_2 step %scan3A_3  : i32 {
      %broadcast_in_dim3A = arith.constant 0.000000e+00 : f32
      %broadcast_in_dim3A_11 = vector.broadcast %broadcast_in_dim3A : f32 to vector<16xf32>
      %swap3A = arith.index_cast %scan3A_10 : i32 to index
      %swap3A_12 = arith.constant 0 : index
      %swap3A_13 = tpu.vector_load %arg12[%swap3A, %swap3A_12] {strides = array<i32>} : memref<800x16xf32, #tpu.memory_space<vmem>>, vector<1x16xf32>,
      %swap3A_14 = vector.shape_cast %swap3A_13 : vector<1x16xf32> to vector<16xf32>
      %swap3A_15 = vector.shape_cast %broadcast_in_dim3A_11 : vector<16xf32> to vector<1x16xf32>
      tpu.vector_store %arg12[%swap3A, %swap3A_12], %swap3A_15 {strides = array<i32>} : memref<800x16xf32, #tpu.memory_space<vmem>>, vector<1x16xf32>,
    }
    %scan3A_4 = arith.constant 800 : i32
    %scan3A_5 = arith.constant 0 : i32
    %scan3A_6 = arith.constant 8 : i32
    %scan3A_7 = arith.addi %scan3A_5, %scan3A_6 : i32
    %scan3A_8 = arith.constant 1 : i32
    scf.for %scan3A_10 = %scan3A_5 to %scan3A_7 step %scan3A_8  : i32 {
      %mul3A_11 = arith.constant 1600 : i32
      %mul3A_12 = arith.muli %arg1, %mul3A_11 : i32
      %add3A = arith.constant 0 : i32
      %add3A_13 = arith.addi %mul3A_12, %add3A : i32
      "tpu.region"() ({
        %run_scoped3A = tpu.sem_alloc : memref<!tpu.dma_semaphore, #tpu.memory_space<semaphore_mem>>
        %dma_start3A_35 = arith.constant 0 : i32
        %dma_start3A_36 = tpu.memref_slice %arg13[%add3A_13, %dma_start3A_35] : memref<25864x16xf32, #tpu.memory_space<vmem_shared>> -> memref<800x16xf32, #tpu.memory_space<vmem_shared>>
        %dma_start3A_37 = arith.constant 0 : i32
        %dma_start3A_38 = tpu.memref_slice %arg13[%add3A_13, %dma_start3A_37] : memref<25864x16xf32, #tpu.memory_space<vmem_shared>> -> memref<800x16xf32, #tpu.memory_space<vmem_shared>>
        tpu.enqueue_dma source(%arg12 : memref<800x16xf32, #tpu.memory_space<vmem>>) target(%dma_start3A_38 : memref<800x16xf32, #tpu.memory_space<vmem_shared>>) target_semaphore(%run_scoped3A : memref<!tpu.dma_semaphore, #tpu.memory_space<semaphore_mem>>)
        %dma_wait3A = arith.constant 0 : i32
        %dma_wait3A_39 = tpu.memref_slice %arg13[%add3A_13, %dma_wait3A] : memref<25864x16xf32, #tpu.memory_space<vmem_shared>> -> memref<800x16xf32, #tpu.memory_space<vmem_shared>>
        %dma_wait3A_40 = arith.constant 0 : i32
        %dma_wait3A_41 = tpu.memref_slice %arg13[%add3A_13, %dma_wait3A_40] : memref<25864x16xf32, #tpu.memory_space<vmem_shared>> -> memref<800x16xf32, #tpu.memory_space<vmem_shared>>
        tpu.wait_dma2 semaphore(%run_scoped3A : memref<!tpu.dma_semaphore, #tpu.memory_space<semaphore_mem>>) src(%arg12 : memref<800x16xf32, #tpu.memory_space<vmem>>) dst(%dma_wait3A_41 : memref<800x16xf32, #tpu.memory_space<vmem_shared>>)
        tpu.yield
      }) : () -> ()
      %mul3A_14 = arith.constant 1600 : i32
      %mul3A_15 = arith.muli %arg1, %mul3A_14 : i32
      %add3A_16 = arith.constant 800 : i32
      %add3A_17 = arith.addi %mul3A_15, %add3A_16 : i32
      "tpu.region"() ({
        %run_scoped3A = tpu.sem_alloc : memref<!tpu.dma_semaphore, #tpu.memory_space<semaphore_mem>>
        %dma_start3A_35 = arith.constant 0 : i32
        %dma_start3A_36 = tpu.memref_slice %arg13[%add3A_17, %dma_start3A_35] : memref<25864x16xf32, #tpu.memory_space<vmem_shared>> -> memref<800x16xf32, #tpu.memory_space<vmem_shared>>
        %dma_start3A_37 = arith.constant 0 : i32
        %dma_start3A_38 = tpu.memref_slice %arg13[%add3A_17, %dma_start3A_37] : memref<25864x16xf32, #tpu.memory_space<vmem_shared>> -> memref<800x16xf32, #tpu.memory_space<vmem_shared>>
        tpu.enqueue_dma source(%arg12 : memref<800x16xf32, #tpu.memory_space<vmem>>) target(%dma_start3A_38 : memref<800x16xf32, #tpu.memory_space<vmem_shared>>) target_semaphore(%run_scoped3A : memref<!tpu.dma_semaphore, #tpu.memory_space<semaphore_mem>>)
        %dma_wait3A = arith.constant 0 : i32
        %dma_wait3A_39 = tpu.memref_slice %arg13[%add3A_17, %dma_wait3A] : memref<25864x16xf32, #tpu.memory_space<vmem_shared>> -> memref<800x16xf32, #tpu.memory_space<vmem_shared>>
        %dma_wait3A_40 = arith.constant 0 : i32
        %dma_wait3A_41 = tpu.memref_slice %arg13[%add3A_17, %dma_wait3A_40] : memref<25864x16xf32, #tpu.memory_space<vmem_shared>> -> memref<800x16xf32, #tpu.memory_space<vmem_shared>>
        tpu.wait_dma2 semaphore(%run_scoped3A : memref<!tpu.dma_semaphore, #tpu.memory_space<semaphore_mem>>) src(%arg12 : memref<800x16xf32, #tpu.memory_space<vmem>>) dst(%dma_wait3A_41 : memref<800x16xf32, #tpu.memory_space<vmem_shared>>)
        tpu.yield
      }) : () -> ()
      %barrier3A = arith.constant 0 : index
      tpu.barrier barrier_id(%barrier3A)
      %mul3A_18 = arith.constant 51200 : i32
      %mul3A_19 = arith.muli %arg1, %mul3A_18 : i32
      "tpu.region"() ({
        %run_scoped3A = tpu.sem_alloc : memref<!tpu.dma_semaphore, #tpu.memory_space<semaphore_mem>>
        %dma_start3A_35 = tpu.memref_slice %arg3[%scan3A_10, %mul3A_19] : memref<8x819200xi32, #tpu.memory_space<hbm>> -> memref<1x2560xi32, #tpu.memory_space<hbm>>
        %dma_start3A_36 = tpu.memref_squeeze %dma_start3A_35 : memref<1x2560xi32, #tpu.memory_space<hbm>> -> memref<2560xi32, #tpu.memory_space<hbm>>
        %dma_start3A_37 = tpu.memref_slice %arg3[%scan3A_10, %mul3A_19] : memref<8x819200xi32, #tpu.memory_space<hbm>> -> memref<1x2560xi32, #tpu.memory_space<hbm>>
        %dma_start3A_38 = tpu.memref_squeeze %dma_start3A_37 : memref<1x2560xi32, #tpu.memory_space<hbm>> -> memref<2560xi32, #tpu.memory_space<hbm>>
        tpu.enqueue_dma source(%dma_start3A_38 : memref<2560xi32, #tpu.memory_space<hbm>>) target(%arg6 : memref<2560xi32, #tpu.memory_space<vmem>>) target_semaphore(%run_scoped3A : memref<!tpu.dma_semaphore, #tpu.memory_space<semaphore_mem>>)
        %dma_wait3A = tpu.memref_slice %arg3[%scan3A_10, %mul3A_19] : memref<8x819200xi32, #tpu.memory_space<hbm>> -> memref<1x2560xi32, #tpu.memory_space<hbm>>
        %dma_wait3A_39 = tpu.memref_squeeze %dma_wait3A : memref<1x2560xi32, #tpu.memory_space<hbm>> -> memref<2560xi32, #tpu.memory_space<hbm>>
        %dma_wait3A_40 = tpu.memref_slice %arg3[%scan3A_10, %mul3A_19] : memref<8x819200xi32, #tpu.memory_space<hbm>> -> memref<1x2560xi32, #tpu.memory_space<hbm>>
        %dma_wait3A_41 = tpu.memref_squeeze %dma_wait3A_40 : memref<1x2560xi32, #tpu.memory_space<hbm>> -> memref<2560xi32, #tpu.memory_space<hbm>>
        tpu.wait_dma2 semaphore(%run_scoped3A : memref<!tpu.dma_semaphore, #tpu.memory_space<semaphore_mem>>) src(%dma_wait3A_41 : memref<2560xi32, #tpu.memory_space<hbm>>) dst(%arg6 : memref<2560xi32, #tpu.memory_space<vmem>>)
        tpu.yield
      }) : () -> ()
      "tpu.region"() ({
        %run_scoped3A = tpu.sem_alloc : memref<!tpu.dma_semaphore, #tpu.memory_space<semaphore_mem>>
        %dma_start3A_35 = tpu.memref_slice %arg4[%scan3A_10, %mul3A_19] : memref<8x819200xi32, #tpu.memory_space<hbm>> -> memref<1x2560xi32, #tpu.memory_space<hbm>>
        %dma_start3A_36 = tpu.memref_squeeze %dma_start3A_35 : memref<1x2560xi32, #tpu.memory_space<hbm>> -> memref<2560xi32, #tpu.memory_space<hbm>>
        %dma_start3A_37 = tpu.memref_slice %arg4[%scan3A_10, %mul3A_19] : memref<8x819200xi32, #tpu.memory_space<hbm>> -> memref<1x2560xi32, #tpu.memory_space<hbm>>
        %dma_start3A_38 = tpu.memref_squeeze %dma_start3A_37 : memref<1x2560xi32, #tpu.memory_space<hbm>> -> memref<2560xi32, #tpu.memory_space<hbm>>
        tpu.enqueue_dma source(%dma_start3A_38 : memref<2560xi32, #tpu.memory_space<hbm>>) target(%arg7 : memref<2560xi32, #tpu.memory_space<vmem>>) target_semaphore(%run_scoped3A : memref<!tpu.dma_semaphore, #tpu.memory_space<semaphore_mem>>)
        %dma_wait3A = tpu.memref_slice %arg4[%scan3A_10, %mul3A_19] : memref<8x819200xi32, #tpu.memory_space<hbm>> -> memref<1x2560xi32, #tpu.memory_space<hbm>>
        %dma_wait3A_39 = tpu.memref_squeeze %dma_wait3A : memref<1x2560xi32, #tpu.memory_space<hbm>> -> memref<2560xi32, #tpu.memory_space<hbm>>
        %dma_wait3A_40 = tpu.memref_slice %arg4[%scan3A_10, %mul3A_19] : memref<8x819200xi32, #tpu.memory_space<hbm>> -> memref<1x2560xi32, #tpu.memory_space<hbm>>
        %dma_wait3A_41 = tpu.memref_squeeze %dma_wait3A_40 : memref<1x2560xi32, #tpu.memory_space<hbm>> -> memref<2560xi32, #tpu.memory_space<hbm>>
        tpu.wait_dma2 semaphore(%run_scoped3A : memref<!tpu.dma_semaphore, #tpu.memory_space<semaphore_mem>>) src(%dma_wait3A_41 : memref<2560xi32, #tpu.memory_space<hbm>>) dst(%arg7 : memref<2560xi32, #tpu.memory_space<vmem>>)
        tpu.yield
      }) : () -> ()
      %dma_start3A = arith.constant 0 : i32
      %dma_start3A_20 = arith.constant 0 : i32
      %dma_start3A_21 = tpu.memref_slice %arg2[%dma_start3A, %dma_start3A_20] : memref<409600x16xf32, #tpu.memory_space<hbm>> -> memref<409600x16xf32, #tpu.memory_space<hbm>>
      tpu.enqueue_indirect_dma source(%dma_start3A_21 : memref<409600x16xf32, #tpu.memory_space<hbm>>) target(%arg8 : memref<2560x16xf32, #tpu.memory_space<vmem>>) offsets(%arg6 : memref<2560xi32, #tpu.memory_space<vmem>>) semaphore(%arg14 : memref<!tpu.dma_semaphore, #tpu.memory_space<semaphore_mem>>)
      %scan3A_22 = arith.constant 0 : i32
      %scan3A_23 = arith.constant 10 : i32
      %scan3A_24 = arith.addi %scan3A_22, %scan3A_23 : i32
      %scan3A_25 = arith.constant 1 : i32
      scf.for %scan3A_35 = %scan3A_22 to %scan3A_24 step %scan3A_25  : i32 {
        %mul3A_36 = arith.constant 2 : i32
        %mul3A_37 = arith.muli %mul3A_36, %scan3A_35 : i32
        %add3A_38 = arith.constant 1 : i32
        %add3A_39 = arith.addi %mul3A_37, %add3A_38 : i32
        %mul3A_40 = arith.constant 2560 : i32
        %mul3A_41 = arith.muli %add3A_39, %mul3A_40 : i32
        %add3A_42 = arith.addi %mul3A_19, %mul3A_41 : i32
        "tpu.region"() ({
          %run_scoped3A = tpu.sem_alloc : memref<!tpu.dma_semaphore, #tpu.memory_space<semaphore_mem>>
          %dma_start3A_65 = tpu.memref_slice %arg3[%scan3A_10, %add3A_42] : memref<8x819200xi32, #tpu.memory_space<hbm>> -> memref<1x2560xi32, #tpu.memory_space<hbm>>
          %dma_start3A_66 = tpu.memref_squeeze %dma_start3A_65 : memref<1x2560xi32, #tpu.memory_space<hbm>> -> memref<2560xi32, #tpu.memory_space<hbm>>
          %dma_start3A_67 = tpu.memref_slice %arg3[%scan3A_10, %add3A_42] : memref<8x819200xi32, #tpu.memory_space<hbm>> -> memref<1x2560xi32, #tpu.memory_space<hbm>>
          %dma_start3A_68 = tpu.memref_squeeze %dma_start3A_67 : memref<1x2560xi32, #tpu.memory_space<hbm>> -> memref<2560xi32, #tpu.memory_space<hbm>>
          tpu.enqueue_dma source(%dma_start3A_68 : memref<2560xi32, #tpu.memory_space<hbm>>) target(%arg9 : memref<2560xi32, #tpu.memory_space<vmem>>) target_semaphore(%run_scoped3A : memref<!tpu.dma_semaphore, #tpu.memory_space<semaphore_mem>>)
          %dma_wait3A_69 = tpu.memref_slice %arg3[%scan3A_10, %add3A_42] : memref<8x819200xi32, #tpu.memory_space<hbm>> -> memref<1x2560xi32, #tpu.memory_space<hbm>>
          %dma_wait3A_70 = tpu.memref_squeeze %dma_wait3A_69 : memref<1x2560xi32, #tpu.memory_space<hbm>> -> memref<2560xi32, #tpu.memory_space<hbm>>
          %dma_wait3A_71 = tpu.memref_slice %arg3[%scan3A_10, %add3A_42] : memref<8x819200xi32, #tpu.memory_space<hbm>> -> memref<1x2560xi32, #tpu.memory_space<hbm>>
          %dma_wait3A_72 = tpu.memref_squeeze %dma_wait3A_71 : memref<1x2560xi32, #tpu.memory_space<hbm>> -> memref<2560xi32, #tpu.memory_space<hbm>>
          tpu.wait_dma2 semaphore(%run_scoped3A : memref<!tpu.dma_semaphore, #tpu.memory_space<semaphore_mem>>) src(%dma_wait3A_72 : memref<2560xi32, #tpu.memory_space<hbm>>) dst(%arg9 : memref<2560xi32, #tpu.memory_space<vmem>>)
          tpu.yield
        }) : () -> ()
        "tpu.region"() ({
          %run_scoped3A = tpu.sem_alloc : memref<!tpu.dma_semaphore, #tpu.memory_space<semaphore_mem>>
          %dma_start3A_65 = tpu.memref_slice %arg4[%scan3A_10, %add3A_42] : memref<8x819200xi32, #tpu.memory_space<hbm>> -> memref<1x2560xi32, #tpu.memory_space<hbm>>
          %dma_start3A_66 = tpu.memref_squeeze %dma_start3A_65 : memref<1x2560xi32, #tpu.memory_space<hbm>> -> memref<2560xi32, #tpu.memory_space<hbm>>
          %dma_start3A_67 = tpu.memref_slice %arg4[%scan3A_10, %add3A_42] : memref<8x819200xi32, #tpu.memory_space<hbm>> -> memref<1x2560xi32, #tpu.memory_space<hbm>>
          %dma_start3A_68 = tpu.memref_squeeze %dma_start3A_67 : memref<1x2560xi32, #tpu.memory_space<hbm>> -> memref<2560xi32, #tpu.memory_space<hbm>>
          tpu.enqueue_dma source(%dma_start3A_68 : memref<2560xi32, #tpu.memory_space<hbm>>) target(%arg10 : memref<2560xi32, #tpu.memory_space<vmem>>) target_semaphore(%run_scoped3A : memref<!tpu.dma_semaphore, #tpu.memory_space<semaphore_mem>>)
          %dma_wait3A_69 = tpu.memref_slice %arg4[%scan3A_10, %add3A_42] : memref<8x819200xi32, #tpu.memory_space<hbm>> -> memref<1x2560xi32, #tpu.memory_space<hbm>>
          %dma_wait3A_70 = tpu.memref_squeeze %dma_wait3A_69 : memref<1x2560xi32, #tpu.memory_space<hbm>> -> memref<2560xi32, #tpu.memory_space<hbm>>
          %dma_wait3A_71 = tpu.memref_slice %arg4[%scan3A_10, %add3A_42] : memref<8x819200xi32, #tpu.memory_space<hbm>> -> memref<1x2560xi32, #tpu.memory_space<hbm>>
          %dma_wait3A_72 = tpu.memref_squeeze %dma_wait3A_71 : memref<1x2560xi32, #tpu.memory_space<hbm>> -> memref<2560xi32, #tpu.memory_space<hbm>>
          tpu.wait_dma2 semaphore(%run_scoped3A : memref<!tpu.dma_semaphore, #tpu.memory_space<semaphore_mem>>) src(%dma_wait3A_72 : memref<2560xi32, #tpu.memory_space<hbm>>) dst(%arg10 : memref<2560xi32, #tpu.memory_space<vmem>>)
          tpu.yield
        }) : () -> ()
        %dma_start3A_43 = arith.constant 0 : i32
        %dma_start3A_44 = arith.constant 0 : i32
        %dma_start3A_45 = tpu.memref_slice %arg2[%dma_start3A_43, %dma_start3A_44] : memref<409600x16xf32, #tpu.memory_space<hbm>> -> memref<409600x16xf32, #tpu.memory_space<hbm>>
        tpu.enqueue_indirect_dma source(%dma_start3A_45 : memref<409600x16xf32, #tpu.memory_space<hbm>>) target(%arg11 : memref<2560x16xf32, #tpu.memory_space<vmem>>) offsets(%arg9 : memref<2560xi32, #tpu.memory_space<vmem>>) semaphore(%arg15 : memref<!tpu.dma_semaphore, #tpu.memory_space<semaphore_mem>>)
        %scan3A_46 = arith.constant 0 : i32
        %scan3A_47 = arith.constant 160 : i32
        %scan3A_48 = arith.addi %scan3A_46, %scan3A_47 : i32
        %scan3A_49 = arith.constant 1 : i32
        scf.for %scan3A_65 = %scan3A_46 to %scan3A_48 step %scan3A_49  : i32 {
          %mul3A_66 = arith.constant 16 : i32
          %mul3A_67 = arith.muli %scan3A_65, %mul3A_66 : i32
          %get3A = arith.index_cast %mul3A_67 : i32 to index
          %get3A_68 = tpu.vector_load %arg7[%get3A] {strides = array<i32>} : memref<2560xi32, #tpu.memory_space<vmem>>, vector<16xi32>,
          %get3A_69 = vector.shape_cast %get3A_68 : vector<16xi32> to vector<16xi32>
          %sub3A = vector.broadcast %mul3A_0 : i32 to vector<16xi32>
          %sub3A_70 = arith.subi %get3A_69, %sub3A : vector<16xi32>
          %ge3A = arith.constant 0 : i32
          %ge3A_71 = vector.broadcast %ge3A : i32 to vector<16xi32>
          %ge3A_72 = arith.cmpi sge, %sub3A_70, %ge3A_71 : vector<16xi32>
          %lt3A_73 = arith.constant 25600 : i32
          %lt3A_74 = vector.broadcast %lt3A_73 : i32 to vector<16xi32>
          %lt3A_75 = arith.cmpi slt, %sub3A_70, %lt3A_74 : vector<16xi32>
          %and3A = arith.andi %ge3A_72, %lt3A_75 : vector<16xi1>
          %and3A_76 = arith.constant 255 : i32
          %and3A_77 = vector.broadcast %and3A_76 : i32 to vector<16xi32>
          %and3A_78 = arith.andi %get3A_69, %and3A_77 : vector<16xi32>
          %add3A_79 = arith.constant 25600 : i32
          %add3A_80 = vector.broadcast %add3A_79 : i32 to vector<16xi32>
          %add3A_81 = arith.addi %add3A_80, %and3A_78 : vector<16xi32>
          %select_n3A = arith.select %and3A, %sub3A_70, %add3A_81 : vector<16xi1>, vector<16xi32>
          %mul3A_82 = arith.constant 16 : i32
          %mul3A_83 = arith.muli %scan3A_65, %mul3A_82 : i32
          %swap3A = arith.index_cast %mul3A_83 : i32 to index
          %swap3A_84 = tpu.vector_load %arg7[%swap3A] {strides = array<i32>} : memref<2560xi32, #tpu.memory_space<vmem>>, vector<16xi32>,
          %swap3A_85 = vector.shape_cast %swap3A_84 : vector<16xi32> to vector<16xi32>
          %swap3A_86 = vector.shape_cast %select_n3A : vector<16xi32> to vector<16xi32>
          tpu.vector_store %arg7[%swap3A], %swap3A_86 {strides = array<i32>} : memref<2560xi32, #tpu.memory_space<vmem>>, vector<16xi32>,
        }
        %scan3A_50 = arith.constant 160 : i32
        %dma_wait3A = arith.constant 0 : i32
        %dma_wait3A_51 = arith.constant 0 : i32
        %dma_wait3A_52 = tpu.memref_slice %arg2[%dma_wait3A, %dma_wait3A_51] : memref<409600x16xf32, #tpu.memory_space<hbm>> -> memref<409600x16xf32, #tpu.memory_space<hbm>>
        tpu.wait_indirect_dma semaphore(%arg14 : memref<!tpu.dma_semaphore, #tpu.memory_space<semaphore_mem>>) src(%dma_wait3A_52 : memref<409600x16xf32, #tpu.memory_space<hbm>>) dst(%arg8 : memref<2560x16xf32, #tpu.memory_space<vmem>>)
        "tpu.region"() ({
          %run_scoped3A = tpu.sem_alloc : memref<!tpu.dma_semaphore, #tpu.memory_space<semaphore_mem>>
          %dma_start3A_65 = arith.constant 0 : i32
          %dma_start3A_66 = arith.constant 0 : i32
          %dma_start3A_67 = tpu.memref_slice %arg13[%dma_start3A_65, %dma_start3A_66] : memref<25864x16xf32, #tpu.memory_space<vmem_shared>> -> memref<25864x16xf32, #tpu.memory_space<vmem_shared>>
          tpu.enqueue_indirect_dma source(%arg8 : memref<2560x16xf32, #tpu.memory_space<vmem>>) target(%dma_start3A_67 : memref<25864x16xf32, #tpu.memory_space<vmem_shared>>) offsets(%arg7 : memref<2560xi32, #tpu.memory_space<vmem>>) semaphore(%run_scoped3A : memref<!tpu.dma_semaphore, #tpu.memory_space<semaphore_mem>>) {add = true}
          %dma_wait3A_68 = arith.constant 0 : i32
          %dma_wait3A_69 = arith.constant 0 : i32
          %dma_wait3A_70 = tpu.memref_slice %arg13[%dma_wait3A_68, %dma_wait3A_69] : memref<25864x16xf32, #tpu.memory_space<vmem_shared>> -> memref<25864x16xf32, #tpu.memory_space<vmem_shared>>
          tpu.wait_indirect_dma semaphore(%run_scoped3A : memref<!tpu.dma_semaphore, #tpu.memory_space<semaphore_mem>>) src(%arg8 : memref<2560x16xf32, #tpu.memory_space<vmem>>) dst(%dma_wait3A_70 : memref<25864x16xf32, #tpu.memory_space<vmem_shared>>)
          tpu.yield
        }) : () -> ()
        %add3A_53 = arith.constant 1 : i32
        %add3A_54 = arith.addi %scan3A_35, %add3A_53 : i32
        %lt3A = arith.constant 10 : i32
        %lt3A_55 = arith.cmpi slt, %add3A_54, %lt3A : i32
        %convert_element_type3A = arith.extui %lt3A_55 : i1 to i32
        %cond3A = arith.constant 0 : i32
        %cond3A_56 = arith.cmpi ne, %convert_element_type3A, %cond3A : i32
        scf.if %cond3A_56 {
          %mul3A_65 = arith.constant 2 : i32
          %mul3A_66 = arith.muli %mul3A_65, %scan3A_35 : i32
          %add3A_67 = arith.constant 2 : i32
          %add3A_68 = arith.addi %mul3A_66, %add3A_67 : i32
          %mul3A_69 = arith.constant 2560 : i32
          %mul3A_70 = arith.muli %add3A_68, %mul3A_69 : i32
          %add3A_71 = arith.addi %mul3A_19, %mul3A_70 : i32
          "tpu.region"() ({
            %run_scoped3A = tpu.sem_alloc : memref<!tpu.dma_semaphore, #tpu.memory_space<semaphore_mem>>
            %dma_start3A_75 = tpu.memref_slice %arg3[%scan3A_10, %add3A_71] : memref<8x819200xi32, #tpu.memory_space<hbm>> -> memref<1x2560xi32, #tpu.memory_space<hbm>>
            %dma_start3A_76 = tpu.memref_squeeze %dma_start3A_75 : memref<1x2560xi32, #tpu.memory_space<hbm>> -> memref<2560xi32, #tpu.memory_space<hbm>>
            %dma_start3A_77 = tpu.memref_slice %arg3[%scan3A_10, %add3A_71] : memref<8x819200xi32, #tpu.memory_space<hbm>> -> memref<1x2560xi32, #tpu.memory_space<hbm>>
            %dma_start3A_78 = tpu.memref_squeeze %dma_start3A_77 : memref<1x2560xi32, #tpu.memory_space<hbm>> -> memref<2560xi32, #tpu.memory_space<hbm>>
            tpu.enqueue_dma source(%dma_start3A_78 : memref<2560xi32, #tpu.memory_space<hbm>>) target(%arg6 : memref<2560xi32, #tpu.memory_space<vmem>>) target_semaphore(%run_scoped3A : memref<!tpu.dma_semaphore, #tpu.memory_space<semaphore_mem>>)
            %dma_wait3A_79 = tpu.memref_slice %arg3[%scan3A_10, %add3A_71] : memref<8x819200xi32, #tpu.memory_space<hbm>> -> memref<1x2560xi32, #tpu.memory_space<hbm>>
            %dma_wait3A_80 = tpu.memref_squeeze %dma_wait3A_79 : memref<1x2560xi32, #tpu.memory_space<hbm>> -> memref<2560xi32, #tpu.memory_space<hbm>>
            %dma_wait3A_81 = tpu.memref_slice %arg3[%scan3A_10, %add3A_71] : memref<8x819200xi32, #tpu.memory_space<hbm>> -> memref<1x2560xi32, #tpu.memory_space<hbm>>
            %dma_wait3A_82 = tpu.memref_squeeze %dma_wait3A_81 : memref<1x2560xi32, #tpu.memory_space<hbm>> -> memref<2560xi32, #tpu.memory_space<hbm>>
            tpu.wait_dma2 semaphore(%run_scoped3A : memref<!tpu.dma_semaphore, #tpu.memory_space<semaphore_mem>>) src(%dma_wait3A_82 : memref<2560xi32, #tpu.memory_space<hbm>>) dst(%arg6 : memref<2560xi32, #tpu.memory_space<vmem>>)
            tpu.yield
          }) : () -> ()
          "tpu.region"() ({
            %run_scoped3A = tpu.sem_alloc : memref<!tpu.dma_semaphore, #tpu.memory_space<semaphore_mem>>
            %dma_start3A_75 = tpu.memref_slice %arg4[%scan3A_10, %add3A_71] : memref<8x819200xi32, #tpu.memory_space<hbm>> -> memref<1x2560xi32, #tpu.memory_space<hbm>>
            %dma_start3A_76 = tpu.memref_squeeze %dma_start3A_75 : memref<1x2560xi32, #tpu.memory_space<hbm>> -> memref<2560xi32, #tpu.memory_space<hbm>>
            %dma_start3A_77 = tpu.memref_slice %arg4[%scan3A_10, %add3A_71] : memref<8x819200xi32, #tpu.memory_space<hbm>> -> memref<1x2560xi32, #tpu.memory_space<hbm>>
            %dma_start3A_78 = tpu.memref_squeeze %dma_start3A_77 : memref<1x2560xi32, #tpu.memory_space<hbm>> -> memref<2560xi32, #tpu.memory_space<hbm>>
            tpu.enqueue_dma source(%dma_start3A_78 : memref<2560xi32, #tpu.memory_space<hbm>>) target(%arg7 : memref<2560xi32, #tpu.memory_space<vmem>>) target_semaphore(%run_scoped3A : memref<!tpu.dma_semaphore, #tpu.memory_space<semaphore_mem>>)
            %dma_wait3A_79 = tpu.memref_slice %arg4[%scan3A_10, %add3A_71] : memref<8x819200xi32, #tpu.memory_space<hbm>> -> memref<1x2560xi32, #tpu.memory_space<hbm>>
            %dma_wait3A_80 = tpu.memref_squeeze %dma_wait3A_79 : memref<1x2560xi32, #tpu.memory_space<hbm>> -> memref<2560xi32, #tpu.memory_space<hbm>>
            %dma_wait3A_81 = tpu.memref_slice %arg4[%scan3A_10, %add3A_71] : memref<8x819200xi32, #tpu.memory_space<hbm>> -> memref<1x2560xi32, #tpu.memory_space<hbm>>
            %dma_wait3A_82 = tpu.memref_squeeze %dma_wait3A_81 : memref<1x2560xi32, #tpu.memory_space<hbm>> -> memref<2560xi32, #tpu.memory_space<hbm>>
            tpu.wait_dma2 semaphore(%run_scoped3A : memref<!tpu.dma_semaphore, #tpu.memory_space<semaphore_mem>>) src(%dma_wait3A_82 : memref<2560xi32, #tpu.memory_space<hbm>>) dst(%arg7 : memref<2560xi32, #tpu.memory_space<vmem>>)
            tpu.yield
          }) : () -> ()
          %dma_start3A_72 = arith.constant 0 : i32
          %dma_start3A_73 = arith.constant 0 : i32
          %dma_start3A_74 = tpu.memref_slice %arg2[%dma_start3A_72, %dma_start3A_73] : memref<409600x16xf32, #tpu.memory_space<hbm>> -> memref<409600x16xf32, #tpu.memory_space<hbm>>
          tpu.enqueue_indirect_dma source(%dma_start3A_74 : memref<409600x16xf32, #tpu.memory_space<hbm>>) target(%arg8 : memref<2560x16xf32, #tpu.memory_space<vmem>>) offsets(%arg6 : memref<2560xi32, #tpu.memory_space<vmem>>) semaphore(%arg14 : memref<!tpu.dma_semaphore, #tpu.memory_space<semaphore_mem>>)
        } else {
        }
        %scan3A_57 = arith.constant 0 : i32
        %scan3A_58 = arith.constant 160 : i32
        %scan3A_59 = arith.addi %scan3A_57, %scan3A_58 : i32
        %scan3A_60 = arith.constant 1 : i32
        scf.for %scan3A_65 = %scan3A_57 to %scan3A_59 step %scan3A_60  : i32 {
          %mul3A_66 = arith.constant 16 : i32
          %mul3A_67 = arith.muli %scan3A_65, %mul3A_66 : i32
          %get3A = arith.index_cast %mul3A_67 : i32 to index
          %get3A_68 = tpu.vector_load %arg10[%get3A] {strides = array<i32>} : memref<2560xi32, #tpu.memory_space<vmem>>, vector<16xi32>,
          %get3A_69 = vector.shape_cast %get3A_68 : vector<16xi32> to vector<16xi32>
          %sub3A = vector.broadcast %mul3A_0 : i32 to vector<16xi32>
          %sub3A_70 = arith.subi %get3A_69, %sub3A : vector<16xi32>
          %ge3A = arith.constant 0 : i32
          %ge3A_71 = vector.broadcast %ge3A : i32 to vector<16xi32>
          %ge3A_72 = arith.cmpi sge, %sub3A_70, %ge3A_71 : vector<16xi32>
          %lt3A_73 = arith.constant 25600 : i32
          %lt3A_74 = vector.broadcast %lt3A_73 : i32 to vector<16xi32>
          %lt3A_75 = arith.cmpi slt, %sub3A_70, %lt3A_74 : vector<16xi32>
          %and3A = arith.andi %ge3A_72, %lt3A_75 : vector<16xi1>
          %and3A_76 = arith.constant 255 : i32
          %and3A_77 = vector.broadcast %and3A_76 : i32 to vector<16xi32>
          %and3A_78 = arith.andi %get3A_69, %and3A_77 : vector<16xi32>
          %add3A_79 = arith.constant 25600 : i32
          %add3A_80 = vector.broadcast %add3A_79 : i32 to vector<16xi32>
          %add3A_81 = arith.addi %add3A_80, %and3A_78 : vector<16xi32>
          %select_n3A = arith.select %and3A, %sub3A_70, %add3A_81 : vector<16xi1>, vector<16xi32>
          %mul3A_82 = arith.constant 16 : i32
          %mul3A_83 = arith.muli %scan3A_65, %mul3A_82 : i32
          %swap3A = arith.index_cast %mul3A_83 : i32 to index
          %swap3A_84 = tpu.vector_load %arg10[%swap3A] {strides = array<i32>} : memref<2560xi32, #tpu.memory_space<vmem>>, vector<16xi32>,
          %swap3A_85 = vector.shape_cast %swap3A_84 : vector<16xi32> to vector<16xi32>
          %swap3A_86 = vector.shape_cast %select_n3A : vector<16xi32> to vector<16xi32>
          tpu.vector_store %arg10[%swap3A], %swap3A_86 {strides = array<i32>} : memref<2560xi32, #tpu.memory_space<vmem>>, vector<16xi32>,
        }
        %scan3A_61 = arith.constant 160 : i32
        %dma_wait3A_62 = arith.constant 0 : i32
        %dma_wait3A_63 = arith.constant 0 : i32
        %dma_wait3A_64 = tpu.memref_slice %arg2[%dma_wait3A_62, %dma_wait3A_63] : memref<409600x16xf32, #tpu.memory_space<hbm>> -> memref<409600x16xf32, #tpu.memory_space<hbm>>
        tpu.wait_indirect_dma semaphore(%arg15 : memref<!tpu.dma_semaphore, #tpu.memory_space<semaphore_mem>>) src(%dma_wait3A_64 : memref<409600x16xf32, #tpu.memory_space<hbm>>) dst(%arg11 : memref<2560x16xf32, #tpu.memory_space<vmem>>)
        "tpu.region"() ({
          %run_scoped3A = tpu.sem_alloc : memref<!tpu.dma_semaphore, #tpu.memory_space<semaphore_mem>>
          %dma_start3A_65 = arith.constant 0 : i32
          %dma_start3A_66 = arith.constant 0 : i32
          %dma_start3A_67 = tpu.memref_slice %arg13[%dma_start3A_65, %dma_start3A_66] : memref<25864x16xf32, #tpu.memory_space<vmem_shared>> -> memref<25864x16xf32, #tpu.memory_space<vmem_shared>>
          tpu.enqueue_indirect_dma source(%arg11 : memref<2560x16xf32, #tpu.memory_space<vmem>>) target(%dma_start3A_67 : memref<25864x16xf32, #tpu.memory_space<vmem_shared>>) offsets(%arg10 : memref<2560xi32, #tpu.memory_space<vmem>>) semaphore(%run_scoped3A : memref<!tpu.dma_semaphore, #tpu.memory_space<semaphore_mem>>) {add = true}
          %dma_wait3A_68 = arith.constant 0 : i32
          %dma_wait3A_69 = arith.constant 0 : i32
          %dma_wait3A_70 = tpu.memref_slice %arg13[%dma_wait3A_68, %dma_wait3A_69] : memref<25864x16xf32, #tpu.memory_space<vmem_shared>> -> memref<25864x16xf32, #tpu.memory_space<vmem_shared>>
          tpu.wait_indirect_dma semaphore(%run_scoped3A : memref<!tpu.dma_semaphore, #tpu.memory_space<semaphore_mem>>) src(%arg11 : memref<2560x16xf32, #tpu.memory_space<vmem>>) dst(%dma_wait3A_70 : memref<25864x16xf32, #tpu.memory_space<vmem_shared>>)
          tpu.yield
        }) : () -> ()
      }
      %scan3A_26 = arith.constant 10 : i32
      %barrier3A_27 = arith.constant 0 : index
      tpu.barrier barrier_id(%barrier3A_27)
      %mul3A_28 = arith.constant 1600 : i32
      %mul3A_29 = arith.muli %arg1, %mul3A_28 : i32
      %mul3A_30 = arith.constant 25600 : i32
      %mul3A_31 = arith.muli %arg0, %mul3A_30 : i32
      %mul3A_32 = arith.constant 1600 : i32
      %mul3A_33 = arith.muli %arg1, %mul3A_32 : i32
      %add3A_34 = arith.addi %mul3A_31, %mul3A_33 : i32
      "tpu.region"() ({
        %run_scoped3A = tpu.sem_alloc : memref<!tpu.dma_semaphore, #tpu.memory_space<semaphore_mem>>
        %dma_start3A_35 = arith.constant 0 : i32
        %dma_start3A_36 = tpu.memref_slice %arg5[%scan3A_10, %add3A_34, %dma_start3A_35] : memref<8x51200x16xf32, #tpu.memory_space<hbm>> -> memref<1x1600x16xf32, #tpu.memory_space<hbm>>
        %dma_start3A_37 = tpu.memref_squeeze %dma_start3A_36 : memref<1x1600x16xf32, #tpu.memory_space<hbm>> -> memref<1600x16xf32, #tpu.memory_space<hbm>>
        %dma_start3A_38 = arith.constant 0 : i32
        %dma_start3A_39 = tpu.memref_slice %arg13[%mul3A_29, %dma_start3A_38] : memref<25864x16xf32, #tpu.memory_space<vmem_shared>> -> memref<1600x16xf32, #tpu.memory_space<vmem_shared>>
        tpu.enqueue_dma source(%dma_start3A_39 : memref<1600x16xf32, #tpu.memory_space<vmem_shared>>) target(%dma_start3A_37 : memref<1600x16xf32, #tpu.memory_space<hbm>>) target_semaphore(%run_scoped3A : memref<!tpu.dma_semaphore, #tpu.memory_space<semaphore_mem>>)
        %dma_wait3A = arith.constant 0 : i32
        %dma_wait3A_40 = tpu.memref_slice %arg5[%scan3A_10, %add3A_34, %dma_wait3A] : memref<8x51200x16xf32, #tpu.memory_space<hbm>> -> memref<1x1600x16xf32, #tpu.memory_space<hbm>>
        %dma_wait3A_41 = tpu.memref_squeeze %dma_wait3A_40 : memref<1x1600x16xf32, #tpu.memory_space<hbm>> -> memref<1600x16xf32, #tpu.memory_space<hbm>>
        %dma_wait3A_42 = arith.constant 0 : i32
        %dma_wait3A_43 = tpu.memref_slice %arg13[%mul3A_29, %dma_wait3A_42] : memref<25864x16xf32, #tpu.memory_space<vmem_shared>> -> memref<1600x16xf32, #tpu.memory_space<vmem_shared>>
        tpu.wait_dma2 semaphore(%run_scoped3A : memref<!tpu.dma_semaphore, #tpu.memory_space<semaphore_mem>>) src(%dma_wait3A_43 : memref<1600x16xf32, #tpu.memory_space<vmem_shared>>) dst(%dma_wait3A_41 : memref<1600x16xf32, #tpu.memory_space<hbm>>)
        tpu.yield
      }) : () -> ()
    }
    %scan3A_9 = arith.constant 8 : i32
    return
  }
}

#map = affine_map<(d0, d1) -> (0, 0, 0)>
#map1 = affine_map<(d0, d1) -> (0, 0)>
module attributes {stable_mosaic.version = 14 : i64} {
  func.func @_q_pass(%arg0: i32, %arg1: i32, %arg2: memref<8x1x51200xf32, #tpu.memory_space<hbm>>, %arg3: memref<8x819200xi32, #tpu.memory_space<hbm>>, %arg4: memref<8x819200xi32, #tpu.memory_space<hbm>>, %arg5: memref<8x2x51200xf32, #tpu.memory_space<hbm>>, %arg6: memref<2560xi32, #tpu.memory_space<vmem>>, %arg7: memref<2560xi32, #tpu.memory_space<vmem>>, %arg8: memref<2560xf32, #tpu.memory_space<vmem>>, %arg9: memref<2560xi32, #tpu.memory_space<vmem>>, %arg10: memref<2560xi32, #tpu.memory_space<vmem>>, %arg11: memref<2560xf32, #tpu.memory_space<vmem>>, %arg12: memref<3200xf32, #tpu.memory_space<vmem>>, %arg13: memref<3200xf32, #tpu.memory_space<vmem>>, %arg14: memref<51200xf32, #tpu.memory_space<vmem_shared>>, %arg15: memref<51200xf32, #tpu.memory_space<vmem_shared>>, %arg16: memref<!tpu.dma_semaphore, #tpu.memory_space<semaphore_mem>>, %arg17: memref<!tpu.dma_semaphore, #tpu.memory_space<semaphore_mem>>) attributes {dimension_semantics = [#tpu.dimension_semantics<core_parallel>, #tpu.dimension_semantics<subcore_parallel>], iteration_bounds = array<i64: 2, 16>, scalar_prefetch = 0 : i64, scratch_operands = 12 : i64, tpu.core_type = #tpu.core_type<sc_vector_subcore>, window_params = [{transform_indices = #map}, {transform_indices = #map1}, {transform_indices = #map1}, {transform_indices = #map}]} {
    %mul3A = arith.constant 2 : i32
    %mul3A_0 = arith.muli %arg1, %mul3A : i32
    %add3A = arith.addi %mul3A_0, %arg0 : i32
    %scan3A = arith.constant 0 : i32
    %scan3A_1 = arith.constant 200 : i32
    %scan3A_2 = arith.addi %scan3A, %scan3A_1 : i32
    %scan3A_3 = arith.constant 1 : i32
    scf.for %scan3A_10 = %scan3A to %scan3A_2 step %scan3A_3  : i32 {
      %broadcast_in_dim3A = arith.constant 0.000000e+00 : f32
      %broadcast_in_dim3A_11 = vector.broadcast %broadcast_in_dim3A : f32 to vector<16xf32>
      %mul3A_12 = arith.constant 16 : i32
      %mul3A_13 = arith.muli %scan3A_10, %mul3A_12 : i32
      %swap3A = arith.index_cast %mul3A_13 : i32 to index
      %swap3A_14 = tpu.vector_load %arg13[%swap3A] {strides = array<i32>} : memref<3200xf32, #tpu.memory_space<vmem>>, vector<16xf32>,
      %swap3A_15 = vector.shape_cast %swap3A_14 : vector<16xf32> to vector<16xf32>
      %swap3A_16 = vector.shape_cast %broadcast_in_dim3A_11 : vector<16xf32> to vector<16xf32>
      tpu.vector_store %arg13[%swap3A], %swap3A_16 {strides = array<i32>} : memref<3200xf32, #tpu.memory_space<vmem>>, vector<16xf32>,
    }
    %scan3A_4 = arith.constant 200 : i32
    %scan3A_5 = arith.constant 0 : i32
    %scan3A_6 = arith.constant 8 : i32
    %scan3A_7 = arith.addi %scan3A_5, %scan3A_6 : i32
    %scan3A_8 = arith.constant 1 : i32
    scf.for %scan3A_10 = %scan3A_5 to %scan3A_7 step %scan3A_8  : i32 {
      %mul3A_11 = arith.constant 3200 : i32
      %mul3A_12 = arith.muli %arg1, %mul3A_11 : i32
      %run_scoped3A = arith.constant 0 : i32
      "tpu.region"() ({
        %run_scoped3A_30 = tpu.sem_alloc : memref<!tpu.dma_semaphore, #tpu.memory_space<semaphore_mem>>
        %dma_start3A_31 = tpu.memref_slice %arg2[%scan3A_10, %run_scoped3A, %mul3A_12] : memref<8x1x51200xf32, #tpu.memory_space<hbm>> -> memref<1x1x3200xf32, #tpu.memory_space<hbm>>
        %dma_start3A_32 = tpu.memref_squeeze %dma_start3A_31 : memref<1x1x3200xf32, #tpu.memory_space<hbm>> -> memref<3200xf32, #tpu.memory_space<hbm>>
        %dma_start3A_33 = tpu.memref_slice %arg2[%scan3A_10, %run_scoped3A, %mul3A_12] : memref<8x1x51200xf32, #tpu.memory_space<hbm>> -> memref<1x1x3200xf32, #tpu.memory_space<hbm>>
        %dma_start3A_34 = tpu.memref_squeeze %dma_start3A_33 : memref<1x1x3200xf32, #tpu.memory_space<hbm>> -> memref<3200xf32, #tpu.memory_space<hbm>>
        tpu.enqueue_dma source(%dma_start3A_34 : memref<3200xf32, #tpu.memory_space<hbm>>) target(%arg12 : memref<3200xf32, #tpu.memory_space<vmem>>) target_semaphore(%run_scoped3A_30 : memref<!tpu.dma_semaphore, #tpu.memory_space<semaphore_mem>>)
        %dma_wait3A = tpu.memref_slice %arg2[%scan3A_10, %run_scoped3A, %mul3A_12] : memref<8x1x51200xf32, #tpu.memory_space<hbm>> -> memref<1x1x3200xf32, #tpu.memory_space<hbm>>
        %dma_wait3A_35 = tpu.memref_squeeze %dma_wait3A : memref<1x1x3200xf32, #tpu.memory_space<hbm>> -> memref<3200xf32, #tpu.memory_space<hbm>>
        %dma_wait3A_36 = tpu.memref_slice %arg2[%scan3A_10, %run_scoped3A, %mul3A_12] : memref<8x1x51200xf32, #tpu.memory_space<hbm>> -> memref<1x1x3200xf32, #tpu.memory_space<hbm>>
        %dma_wait3A_37 = tpu.memref_squeeze %dma_wait3A_36 : memref<1x1x3200xf32, #tpu.memory_space<hbm>> -> memref<3200xf32, #tpu.memory_space<hbm>>
        tpu.wait_dma2 semaphore(%run_scoped3A_30 : memref<!tpu.dma_semaphore, #tpu.memory_space<semaphore_mem>>) src(%dma_wait3A_37 : memref<3200xf32, #tpu.memory_space<hbm>>) dst(%arg12 : memref<3200xf32, #tpu.memory_space<vmem>>)
        tpu.yield
      }) : () -> ()
      %mul3A_13 = arith.constant 3200 : i32
      %mul3A_14 = arith.muli %arg1, %mul3A_13 : i32
      "tpu.region"() ({
        %run_scoped3A_30 = tpu.sem_alloc : memref<!tpu.dma_semaphore, #tpu.memory_space<semaphore_mem>>
        %dma_start3A_31 = tpu.memref_slice %arg14[%mul3A_14] : memref<51200xf32, #tpu.memory_space<vmem_shared>> -> memref<3200xf32, #tpu.memory_space<vmem_shared>>
        %dma_start3A_32 = tpu.memref_slice %arg14[%mul3A_14] : memref<51200xf32, #tpu.memory_space<vmem_shared>> -> memref<3200xf32, #tpu.memory_space<vmem_shared>>
        tpu.enqueue_dma source(%arg12 : memref<3200xf32, #tpu.memory_space<vmem>>) target(%dma_start3A_32 : memref<3200xf32, #tpu.memory_space<vmem_shared>>) target_semaphore(%run_scoped3A_30 : memref<!tpu.dma_semaphore, #tpu.memory_space<semaphore_mem>>)
        %dma_wait3A = tpu.memref_slice %arg14[%mul3A_14] : memref<51200xf32, #tpu.memory_space<vmem_shared>> -> memref<3200xf32, #tpu.memory_space<vmem_shared>>
        %dma_wait3A_33 = tpu.memref_slice %arg14[%mul3A_14] : memref<51200xf32, #tpu.memory_space<vmem_shared>> -> memref<3200xf32, #tpu.memory_space<vmem_shared>>
        tpu.wait_dma2 semaphore(%run_scoped3A_30 : memref<!tpu.dma_semaphore, #tpu.memory_space<semaphore_mem>>) src(%arg12 : memref<3200xf32, #tpu.memory_space<vmem>>) dst(%dma_wait3A_33 : memref<3200xf32, #tpu.memory_space<vmem_shared>>)
        tpu.yield
      }) : () -> ()
      %mul3A_15 = arith.constant 3200 : i32
      %mul3A_16 = arith.muli %arg1, %mul3A_15 : i32
      "tpu.region"() ({
        %run_scoped3A_30 = tpu.sem_alloc : memref<!tpu.dma_semaphore, #tpu.memory_space<semaphore_mem>>
        %dma_start3A_31 = tpu.memref_slice %arg15[%mul3A_16] : memref<51200xf32, #tpu.memory_space<vmem_shared>> -> memref<3200xf32, #tpu.memory_space<vmem_shared>>
        %dma_start3A_32 = tpu.memref_slice %arg15[%mul3A_16] : memref<51200xf32, #tpu.memory_space<vmem_shared>> -> memref<3200xf32, #tpu.memory_space<vmem_shared>>
        tpu.enqueue_dma source(%arg13 : memref<3200xf32, #tpu.memory_space<vmem>>) target(%dma_start3A_32 : memref<3200xf32, #tpu.memory_space<vmem_shared>>) target_semaphore(%run_scoped3A_30 : memref<!tpu.dma_semaphore, #tpu.memory_space<semaphore_mem>>)
        %dma_wait3A = tpu.memref_slice %arg15[%mul3A_16] : memref<51200xf32, #tpu.memory_space<vmem_shared>> -> memref<3200xf32, #tpu.memory_space<vmem_shared>>
        %dma_wait3A_33 = tpu.memref_slice %arg15[%mul3A_16] : memref<51200xf32, #tpu.memory_space<vmem_shared>> -> memref<3200xf32, #tpu.memory_space<vmem_shared>>
        tpu.wait_dma2 semaphore(%run_scoped3A_30 : memref<!tpu.dma_semaphore, #tpu.memory_space<semaphore_mem>>) src(%arg13 : memref<3200xf32, #tpu.memory_space<vmem>>) dst(%dma_wait3A_33 : memref<3200xf32, #tpu.memory_space<vmem_shared>>)
        tpu.yield
      }) : () -> ()
      %barrier3A = arith.constant 0 : index
      tpu.barrier barrier_id(%barrier3A)
      %mul3A_17 = arith.constant 25600 : i32
      %mul3A_18 = arith.muli %add3A, %mul3A_17 : i32
      "tpu.region"() ({
        %run_scoped3A_30 = tpu.sem_alloc : memref<!tpu.dma_semaphore, #tpu.memory_space<semaphore_mem>>
        %dma_start3A_31 = tpu.memref_slice %arg3[%scan3A_10, %mul3A_18] : memref<8x819200xi32, #tpu.memory_space<hbm>> -> memref<1x2560xi32, #tpu.memory_space<hbm>>
        %dma_start3A_32 = tpu.memref_squeeze %dma_start3A_31 : memref<1x2560xi32, #tpu.memory_space<hbm>> -> memref<2560xi32, #tpu.memory_space<hbm>>
        %dma_start3A_33 = tpu.memref_slice %arg3[%scan3A_10, %mul3A_18] : memref<8x819200xi32, #tpu.memory_space<hbm>> -> memref<1x2560xi32, #tpu.memory_space<hbm>>
        %dma_start3A_34 = tpu.memref_squeeze %dma_start3A_33 : memref<1x2560xi32, #tpu.memory_space<hbm>> -> memref<2560xi32, #tpu.memory_space<hbm>>
        tpu.enqueue_dma source(%dma_start3A_34 : memref<2560xi32, #tpu.memory_space<hbm>>) target(%arg6 : memref<2560xi32, #tpu.memory_space<vmem>>) target_semaphore(%run_scoped3A_30 : memref<!tpu.dma_semaphore, #tpu.memory_space<semaphore_mem>>)
        %dma_wait3A = tpu.memref_slice %arg3[%scan3A_10, %mul3A_18] : memref<8x819200xi32, #tpu.memory_space<hbm>> -> memref<1x2560xi32, #tpu.memory_space<hbm>>
        %dma_wait3A_35 = tpu.memref_squeeze %dma_wait3A : memref<1x2560xi32, #tpu.memory_space<hbm>> -> memref<2560xi32, #tpu.memory_space<hbm>>
        %dma_wait3A_36 = tpu.memref_slice %arg3[%scan3A_10, %mul3A_18] : memref<8x819200xi32, #tpu.memory_space<hbm>> -> memref<1x2560xi32, #tpu.memory_space<hbm>>
        %dma_wait3A_37 = tpu.memref_squeeze %dma_wait3A_36 : memref<1x2560xi32, #tpu.memory_space<hbm>> -> memref<2560xi32, #tpu.memory_space<hbm>>
        tpu.wait_dma2 semaphore(%run_scoped3A_30 : memref<!tpu.dma_semaphore, #tpu.memory_space<semaphore_mem>>) src(%dma_wait3A_37 : memref<2560xi32, #tpu.memory_space<hbm>>) dst(%arg6 : memref<2560xi32, #tpu.memory_space<vmem>>)
        tpu.yield
      }) : () -> ()
      "tpu.region"() ({
        %run_scoped3A_30 = tpu.sem_alloc : memref<!tpu.dma_semaphore, #tpu.memory_space<semaphore_mem>>
        %dma_start3A_31 = tpu.memref_slice %arg4[%scan3A_10, %mul3A_18] : memref<8x819200xi32, #tpu.memory_space<hbm>> -> memref<1x2560xi32, #tpu.memory_space<hbm>>
        %dma_start3A_32 = tpu.memref_squeeze %dma_start3A_31 : memref<1x2560xi32, #tpu.memory_space<hbm>> -> memref<2560xi32, #tpu.memory_space<hbm>>
        %dma_start3A_33 = tpu.memref_slice %arg4[%scan3A_10, %mul3A_18] : memref<8x819200xi32, #tpu.memory_space<hbm>> -> memref<1x2560xi32, #tpu.memory_space<hbm>>
        %dma_start3A_34 = tpu.memref_squeeze %dma_start3A_33 : memref<1x2560xi32, #tpu.memory_space<hbm>> -> memref<2560xi32, #tpu.memory_space<hbm>>
        tpu.enqueue_dma source(%dma_start3A_34 : memref<2560xi32, #tpu.memory_space<hbm>>) target(%arg7 : memref<2560xi32, #tpu.memory_space<vmem>>) target_semaphore(%run_scoped3A_30 : memref<!tpu.dma_semaphore, #tpu.memory_space<semaphore_mem>>)
        %dma_wait3A = tpu.memref_slice %arg4[%scan3A_10, %mul3A_18] : memref<8x819200xi32, #tpu.memory_space<hbm>> -> memref<1x2560xi32, #tpu.memory_space<hbm>>
        %dma_wait3A_35 = tpu.memref_squeeze %dma_wait3A : memref<1x2560xi32, #tpu.memory_space<hbm>> -> memref<2560xi32, #tpu.memory_space<hbm>>
        %dma_wait3A_36 = tpu.memref_slice %arg4[%scan3A_10, %mul3A_18] : memref<8x819200xi32, #tpu.memory_space<hbm>> -> memref<1x2560xi32, #tpu.memory_space<hbm>>
        %dma_wait3A_37 = tpu.memref_squeeze %dma_wait3A_36 : memref<1x2560xi32, #tpu.memory_space<hbm>> -> memref<2560xi32, #tpu.memory_space<hbm>>
        tpu.wait_dma2 semaphore(%run_scoped3A_30 : memref<!tpu.dma_semaphore, #tpu.memory_space<semaphore_mem>>) src(%dma_wait3A_37 : memref<2560xi32, #tpu.memory_space<hbm>>) dst(%arg7 : memref<2560xi32, #tpu.memory_space<vmem>>)
        tpu.yield
      }) : () -> ()
      %dma_start3A = arith.constant 0 : i32
      %dma_start3A_19 = tpu.memref_slice %arg14[%dma_start3A] : memref<51200xf32, #tpu.memory_space<vmem_shared>> -> memref<51200xf32, #tpu.memory_space<vmem_shared>>
      tpu.enqueue_indirect_dma source(%dma_start3A_19 : memref<51200xf32, #tpu.memory_space<vmem_shared>>) target(%arg8 : memref<2560xf32, #tpu.memory_space<vmem>>) offsets(%arg7 : memref<2560xi32, #tpu.memory_space<vmem>>) semaphore(%arg16 : memref<!tpu.dma_semaphore, #tpu.memory_space<semaphore_mem>>)
      %scan3A_20 = arith.constant 0 : i32
      %scan3A_21 = arith.constant 5 : i32
      %scan3A_22 = arith.addi %scan3A_20, %scan3A_21 : i32
      %scan3A_23 = arith.constant 1 : i32
      scf.for %scan3A_30 = %scan3A_20 to %scan3A_22 step %scan3A_23  : i32 {
        %mul3A_31 = arith.constant 2 : i32
        %mul3A_32 = arith.muli %mul3A_31, %scan3A_30 : i32
        %add3A_33 = arith.constant 1 : i32
        %add3A_34 = arith.addi %mul3A_32, %add3A_33 : i32
        %mul3A_35 = arith.constant 2560 : i32
        %mul3A_36 = arith.muli %add3A_34, %mul3A_35 : i32
        %add3A_37 = arith.addi %mul3A_18, %mul3A_36 : i32
        "tpu.region"() ({
          %run_scoped3A_47 = tpu.sem_alloc : memref<!tpu.dma_semaphore, #tpu.memory_space<semaphore_mem>>
          %dma_start3A_48 = tpu.memref_slice %arg3[%scan3A_10, %add3A_37] : memref<8x819200xi32, #tpu.memory_space<hbm>> -> memref<1x2560xi32, #tpu.memory_space<hbm>>
          %dma_start3A_49 = tpu.memref_squeeze %dma_start3A_48 : memref<1x2560xi32, #tpu.memory_space<hbm>> -> memref<2560xi32, #tpu.memory_space<hbm>>
          %dma_start3A_50 = tpu.memref_slice %arg3[%scan3A_10, %add3A_37] : memref<8x819200xi32, #tpu.memory_space<hbm>> -> memref<1x2560xi32, #tpu.memory_space<hbm>>
          %dma_start3A_51 = tpu.memref_squeeze %dma_start3A_50 : memref<1x2560xi32, #tpu.memory_space<hbm>> -> memref<2560xi32, #tpu.memory_space<hbm>>
          tpu.enqueue_dma source(%dma_start3A_51 : memref<2560xi32, #tpu.memory_space<hbm>>) target(%arg9 : memref<2560xi32, #tpu.memory_space<vmem>>) target_semaphore(%run_scoped3A_47 : memref<!tpu.dma_semaphore, #tpu.memory_space<semaphore_mem>>)
          %dma_wait3A_52 = tpu.memref_slice %arg3[%scan3A_10, %add3A_37] : memref<8x819200xi32, #tpu.memory_space<hbm>> -> memref<1x2560xi32, #tpu.memory_space<hbm>>
          %dma_wait3A_53 = tpu.memref_squeeze %dma_wait3A_52 : memref<1x2560xi32, #tpu.memory_space<hbm>> -> memref<2560xi32, #tpu.memory_space<hbm>>
          %dma_wait3A_54 = tpu.memref_slice %arg3[%scan3A_10, %add3A_37] : memref<8x819200xi32, #tpu.memory_space<hbm>> -> memref<1x2560xi32, #tpu.memory_space<hbm>>
          %dma_wait3A_55 = tpu.memref_squeeze %dma_wait3A_54 : memref<1x2560xi32, #tpu.memory_space<hbm>> -> memref<2560xi32, #tpu.memory_space<hbm>>
          tpu.wait_dma2 semaphore(%run_scoped3A_47 : memref<!tpu.dma_semaphore, #tpu.memory_space<semaphore_mem>>) src(%dma_wait3A_55 : memref<2560xi32, #tpu.memory_space<hbm>>) dst(%arg9 : memref<2560xi32, #tpu.memory_space<vmem>>)
          tpu.yield
        }) : () -> ()
        "tpu.region"() ({
          %run_scoped3A_47 = tpu.sem_alloc : memref<!tpu.dma_semaphore, #tpu.memory_space<semaphore_mem>>
          %dma_start3A_48 = tpu.memref_slice %arg4[%scan3A_10, %add3A_37] : memref<8x819200xi32, #tpu.memory_space<hbm>> -> memref<1x2560xi32, #tpu.memory_space<hbm>>
          %dma_start3A_49 = tpu.memref_squeeze %dma_start3A_48 : memref<1x2560xi32, #tpu.memory_space<hbm>> -> memref<2560xi32, #tpu.memory_space<hbm>>
          %dma_start3A_50 = tpu.memref_slice %arg4[%scan3A_10, %add3A_37] : memref<8x819200xi32, #tpu.memory_space<hbm>> -> memref<1x2560xi32, #tpu.memory_space<hbm>>
          %dma_start3A_51 = tpu.memref_squeeze %dma_start3A_50 : memref<1x2560xi32, #tpu.memory_space<hbm>> -> memref<2560xi32, #tpu.memory_space<hbm>>
          tpu.enqueue_dma source(%dma_start3A_51 : memref<2560xi32, #tpu.memory_space<hbm>>) target(%arg10 : memref<2560xi32, #tpu.memory_space<vmem>>) target_semaphore(%run_scoped3A_47 : memref<!tpu.dma_semaphore, #tpu.memory_space<semaphore_mem>>)
          %dma_wait3A_52 = tpu.memref_slice %arg4[%scan3A_10, %add3A_37] : memref<8x819200xi32, #tpu.memory_space<hbm>> -> memref<1x2560xi32, #tpu.memory_space<hbm>>
          %dma_wait3A_53 = tpu.memref_squeeze %dma_wait3A_52 : memref<1x2560xi32, #tpu.memory_space<hbm>> -> memref<2560xi32, #tpu.memory_space<hbm>>
          %dma_wait3A_54 = tpu.memref_slice %arg4[%scan3A_10, %add3A_37] : memref<8x819200xi32, #tpu.memory_space<hbm>> -> memref<1x2560xi32, #tpu.memory_space<hbm>>
          %dma_wait3A_55 = tpu.memref_squeeze %dma_wait3A_54 : memref<1x2560xi32, #tpu.memory_space<hbm>> -> memref<2560xi32, #tpu.memory_space<hbm>>
          tpu.wait_dma2 semaphore(%run_scoped3A_47 : memref<!tpu.dma_semaphore, #tpu.memory_space<semaphore_mem>>) src(%dma_wait3A_55 : memref<2560xi32, #tpu.memory_space<hbm>>) dst(%arg10 : memref<2560xi32, #tpu.memory_space<vmem>>)
          tpu.yield
        }) : () -> ()
        %dma_start3A_38 = arith.constant 0 : i32
        %dma_start3A_39 = tpu.memref_slice %arg14[%dma_start3A_38] : memref<51200xf32, #tpu.memory_space<vmem_shared>> -> memref<51200xf32, #tpu.memory_space<vmem_shared>>
        tpu.enqueue_indirect_dma source(%dma_start3A_39 : memref<51200xf32, #tpu.memory_space<vmem_shared>>) target(%arg11 : memref<2560xf32, #tpu.memory_space<vmem>>) offsets(%arg10 : memref<2560xi32, #tpu.memory_space<vmem>>) semaphore(%arg17 : memref<!tpu.dma_semaphore, #tpu.memory_space<semaphore_mem>>)
        %dma_wait3A = arith.constant 0 : i32
        %dma_wait3A_40 = tpu.memref_slice %arg14[%dma_wait3A] : memref<51200xf32, #tpu.memory_space<vmem_shared>> -> memref<51200xf32, #tpu.memory_space<vmem_shared>>
        tpu.wait_indirect_dma semaphore(%arg16 : memref<!tpu.dma_semaphore, #tpu.memory_space<semaphore_mem>>) src(%dma_wait3A_40 : memref<51200xf32, #tpu.memory_space<vmem_shared>>) dst(%arg8 : memref<2560xf32, #tpu.memory_space<vmem>>)
        "tpu.region"() ({
          %run_scoped3A_47 = tpu.sem_alloc : memref<!tpu.dma_semaphore, #tpu.memory_space<semaphore_mem>>
          %dma_start3A_48 = arith.constant 0 : i32
          %dma_start3A_49 = tpu.memref_slice %arg15[%dma_start3A_48] : memref<51200xf32, #tpu.memory_space<vmem_shared>> -> memref<51200xf32, #tpu.memory_space<vmem_shared>>
          tpu.enqueue_indirect_dma source(%arg8 : memref<2560xf32, #tpu.memory_space<vmem>>) target(%dma_start3A_49 : memref<51200xf32, #tpu.memory_space<vmem_shared>>) offsets(%arg6 : memref<2560xi32, #tpu.memory_space<vmem>>) semaphore(%run_scoped3A_47 : memref<!tpu.dma_semaphore, #tpu.memory_space<semaphore_mem>>) {add = true}
          %dma_wait3A_50 = arith.constant 0 : i32
          %dma_wait3A_51 = tpu.memref_slice %arg15[%dma_wait3A_50] : memref<51200xf32, #tpu.memory_space<vmem_shared>> -> memref<51200xf32, #tpu.memory_space<vmem_shared>>
          tpu.wait_indirect_dma semaphore(%run_scoped3A_47 : memref<!tpu.dma_semaphore, #tpu.memory_space<semaphore_mem>>) src(%arg8 : memref<2560xf32, #tpu.memory_space<vmem>>) dst(%dma_wait3A_51 : memref<51200xf32, #tpu.memory_space<vmem_shared>>)
          tpu.yield
        }) : () -> ()
        %add3A_41 = arith.constant 1 : i32
        %add3A_42 = arith.addi %scan3A_30, %add3A_41 : i32
        %lt3A = arith.constant 5 : i32
        %lt3A_43 = arith.cmpi slt, %add3A_42, %lt3A : i32
        %convert_element_type3A = arith.extui %lt3A_43 : i1 to i32
        %cond3A = arith.constant 0 : i32
        %cond3A_44 = arith.cmpi ne, %convert_element_type3A, %cond3A : i32
        scf.if %cond3A_44 {
          %mul3A_47 = arith.constant 2 : i32
          %mul3A_48 = arith.muli %mul3A_47, %scan3A_30 : i32
          %add3A_49 = arith.constant 2 : i32
          %add3A_50 = arith.addi %mul3A_48, %add3A_49 : i32
          %mul3A_51 = arith.constant 2560 : i32
          %mul3A_52 = arith.muli %add3A_50, %mul3A_51 : i32
          %add3A_53 = arith.addi %mul3A_18, %mul3A_52 : i32
          "tpu.region"() ({
            %run_scoped3A_56 = tpu.sem_alloc : memref<!tpu.dma_semaphore, #tpu.memory_space<semaphore_mem>>
            %dma_start3A_57 = tpu.memref_slice %arg3[%scan3A_10, %add3A_53] : memref<8x819200xi32, #tpu.memory_space<hbm>> -> memref<1x2560xi32, #tpu.memory_space<hbm>>
            %dma_start3A_58 = tpu.memref_squeeze %dma_start3A_57 : memref<1x2560xi32, #tpu.memory_space<hbm>> -> memref<2560xi32, #tpu.memory_space<hbm>>
            %dma_start3A_59 = tpu.memref_slice %arg3[%scan3A_10, %add3A_53] : memref<8x819200xi32, #tpu.memory_space<hbm>> -> memref<1x2560xi32, #tpu.memory_space<hbm>>
            %dma_start3A_60 = tpu.memref_squeeze %dma_start3A_59 : memref<1x2560xi32, #tpu.memory_space<hbm>> -> memref<2560xi32, #tpu.memory_space<hbm>>
            tpu.enqueue_dma source(%dma_start3A_60 : memref<2560xi32, #tpu.memory_space<hbm>>) target(%arg6 : memref<2560xi32, #tpu.memory_space<vmem>>) target_semaphore(%run_scoped3A_56 : memref<!tpu.dma_semaphore, #tpu.memory_space<semaphore_mem>>)
            %dma_wait3A_61 = tpu.memref_slice %arg3[%scan3A_10, %add3A_53] : memref<8x819200xi32, #tpu.memory_space<hbm>> -> memref<1x2560xi32, #tpu.memory_space<hbm>>
            %dma_wait3A_62 = tpu.memref_squeeze %dma_wait3A_61 : memref<1x2560xi32, #tpu.memory_space<hbm>> -> memref<2560xi32, #tpu.memory_space<hbm>>
            %dma_wait3A_63 = tpu.memref_slice %arg3[%scan3A_10, %add3A_53] : memref<8x819200xi32, #tpu.memory_space<hbm>> -> memref<1x2560xi32, #tpu.memory_space<hbm>>
            %dma_wait3A_64 = tpu.memref_squeeze %dma_wait3A_63 : memref<1x2560xi32, #tpu.memory_space<hbm>> -> memref<2560xi32, #tpu.memory_space<hbm>>
            tpu.wait_dma2 semaphore(%run_scoped3A_56 : memref<!tpu.dma_semaphore, #tpu.memory_space<semaphore_mem>>) src(%dma_wait3A_64 : memref<2560xi32, #tpu.memory_space<hbm>>) dst(%arg6 : memref<2560xi32, #tpu.memory_space<vmem>>)
            tpu.yield
          }) : () -> ()
          "tpu.region"() ({
            %run_scoped3A_56 = tpu.sem_alloc : memref<!tpu.dma_semaphore, #tpu.memory_space<semaphore_mem>>
            %dma_start3A_57 = tpu.memref_slice %arg4[%scan3A_10, %add3A_53] : memref<8x819200xi32, #tpu.memory_space<hbm>> -> memref<1x2560xi32, #tpu.memory_space<hbm>>
            %dma_start3A_58 = tpu.memref_squeeze %dma_start3A_57 : memref<1x2560xi32, #tpu.memory_space<hbm>> -> memref<2560xi32, #tpu.memory_space<hbm>>
            %dma_start3A_59 = tpu.memref_slice %arg4[%scan3A_10, %add3A_53] : memref<8x819200xi32, #tpu.memory_space<hbm>> -> memref<1x2560xi32, #tpu.memory_space<hbm>>
            %dma_start3A_60 = tpu.memref_squeeze %dma_start3A_59 : memref<1x2560xi32, #tpu.memory_space<hbm>> -> memref<2560xi32, #tpu.memory_space<hbm>>
            tpu.enqueue_dma source(%dma_start3A_60 : memref<2560xi32, #tpu.memory_space<hbm>>) target(%arg7 : memref<2560xi32, #tpu.memory_space<vmem>>) target_semaphore(%run_scoped3A_56 : memref<!tpu.dma_semaphore, #tpu.memory_space<semaphore_mem>>)
            %dma_wait3A_61 = tpu.memref_slice %arg4[%scan3A_10, %add3A_53] : memref<8x819200xi32, #tpu.memory_space<hbm>> -> memref<1x2560xi32, #tpu.memory_space<hbm>>
            %dma_wait3A_62 = tpu.memref_squeeze %dma_wait3A_61 : memref<1x2560xi32, #tpu.memory_space<hbm>> -> memref<2560xi32, #tpu.memory_space<hbm>>
            %dma_wait3A_63 = tpu.memref_slice %arg4[%scan3A_10, %add3A_53] : memref<8x819200xi32, #tpu.memory_space<hbm>> -> memref<1x2560xi32, #tpu.memory_space<hbm>>
            %dma_wait3A_64 = tpu.memref_squeeze %dma_wait3A_63 : memref<1x2560xi32, #tpu.memory_space<hbm>> -> memref<2560xi32, #tpu.memory_space<hbm>>
            tpu.wait_dma2 semaphore(%run_scoped3A_56 : memref<!tpu.dma_semaphore, #tpu.memory_space<semaphore_mem>>) src(%dma_wait3A_64 : memref<2560xi32, #tpu.memory_space<hbm>>) dst(%arg7 : memref<2560xi32, #tpu.memory_space<vmem>>)
            tpu.yield
          }) : () -> ()
          %dma_start3A_54 = arith.constant 0 : i32
          %dma_start3A_55 = tpu.memref_slice %arg14[%dma_start3A_54] : memref<51200xf32, #tpu.memory_space<vmem_shared>> -> memref<51200xf32, #tpu.memory_space<vmem_shared>>
          tpu.enqueue_indirect_dma source(%dma_start3A_55 : memref<51200xf32, #tpu.memory_space<vmem_shared>>) target(%arg8 : memref<2560xf32, #tpu.memory_space<vmem>>) offsets(%arg7 : memref<2560xi32, #tpu.memory_space<vmem>>) semaphore(%arg16 : memref<!tpu.dma_semaphore, #tpu.memory_space<semaphore_mem>>)
        } else {
        }
        %dma_wait3A_45 = arith.constant 0 : i32
        %dma_wait3A_46 = tpu.memref_slice %arg14[%dma_wait3A_45] : memref<51200xf32, #tpu.memory_space<vmem_shared>> -> memref<51200xf32, #tpu.memory_space<vmem_shared>>
        tpu.wait_indirect_dma semaphore(%arg17 : memref<!tpu.dma_semaphore, #tpu.memory_space<semaphore_mem>>) src(%dma_wait3A_46 : memref<51200xf32, #tpu.memory_space<vmem_shared>>) dst(%arg11 : memref<2560xf32, #tpu.memory_space<vmem>>)
        "tpu.region"() ({
          %run_scoped3A_47 = tpu.sem_alloc : memref<!tpu.dma_semaphore, #tpu.memory_space<semaphore_mem>>
          %dma_start3A_48 = arith.constant 0 : i32
          %dma_start3A_49 = tpu.memref_slice %arg15[%dma_start3A_48] : memref<51200xf32, #tpu.memory_space<vmem_shared>> -> memref<51200xf32, #tpu.memory_space<vmem_shared>>
          tpu.enqueue_indirect_dma source(%arg11 : memref<2560xf32, #tpu.memory_space<vmem>>) target(%dma_start3A_49 : memref<51200xf32, #tpu.memory_space<vmem_shared>>) offsets(%arg9 : memref<2560xi32, #tpu.memory_space<vmem>>) semaphore(%run_scoped3A_47 : memref<!tpu.dma_semaphore, #tpu.memory_space<semaphore_mem>>) {add = true}
          %dma_wait3A_50 = arith.constant 0 : i32
          %dma_wait3A_51 = tpu.memref_slice %arg15[%dma_wait3A_50] : memref<51200xf32, #tpu.memory_space<vmem_shared>> -> memref<51200xf32, #tpu.memory_space<vmem_shared>>
          tpu.wait_indirect_dma semaphore(%run_scoped3A_47 : memref<!tpu.dma_semaphore, #tpu.memory_space<semaphore_mem>>) src(%arg11 : memref<2560xf32, #tpu.memory_space<vmem>>) dst(%dma_wait3A_51 : memref<51200xf32, #tpu.memory_space<vmem_shared>>)
          tpu.yield
        }) : () -> ()
      }
      %scan3A_24 = arith.constant 5 : i32
      %barrier3A_25 = arith.constant 0 : index
      tpu.barrier barrier_id(%barrier3A_25)
      %mul3A_26 = arith.constant 3200 : i32
      %mul3A_27 = arith.muli %arg1, %mul3A_26 : i32
      %mul3A_28 = arith.constant 3200 : i32
      %mul3A_29 = arith.muli %arg1, %mul3A_28 : i32
      "tpu.region"() ({
        %run_scoped3A_30 = tpu.sem_alloc : memref<!tpu.dma_semaphore, #tpu.memory_space<semaphore_mem>>
        %dma_start3A_31 = tpu.memref_slice %arg5[%scan3A_10, %arg0, %mul3A_29] : memref<8x2x51200xf32, #tpu.memory_space<hbm>> -> memref<1x1x3200xf32, #tpu.memory_space<hbm>>
        %dma_start3A_32 = tpu.memref_squeeze %dma_start3A_31 : memref<1x1x3200xf32, #tpu.memory_space<hbm>> -> memref<3200xf32, #tpu.memory_space<hbm>>
        %dma_start3A_33 = tpu.memref_slice %arg15[%mul3A_27] : memref<51200xf32, #tpu.memory_space<vmem_shared>> -> memref<3200xf32, #tpu.memory_space<vmem_shared>>
        tpu.enqueue_dma source(%dma_start3A_33 : memref<3200xf32, #tpu.memory_space<vmem_shared>>) target(%dma_start3A_32 : memref<3200xf32, #tpu.memory_space<hbm>>) target_semaphore(%run_scoped3A_30 : memref<!tpu.dma_semaphore, #tpu.memory_space<semaphore_mem>>)
        %dma_wait3A = tpu.memref_slice %arg5[%scan3A_10, %arg0, %mul3A_29] : memref<8x2x51200xf32, #tpu.memory_space<hbm>> -> memref<1x1x3200xf32, #tpu.memory_space<hbm>>
        %dma_wait3A_34 = tpu.memref_squeeze %dma_wait3A : memref<1x1x3200xf32, #tpu.memory_space<hbm>> -> memref<3200xf32, #tpu.memory_space<hbm>>
        %dma_wait3A_35 = tpu.memref_slice %arg15[%mul3A_27] : memref<51200xf32, #tpu.memory_space<vmem_shared>> -> memref<3200xf32, #tpu.memory_space<vmem_shared>>
        tpu.wait_dma2 semaphore(%run_scoped3A_30 : memref<!tpu.dma_semaphore, #tpu.memory_space<semaphore_mem>>) src(%dma_wait3A_35 : memref<3200xf32, #tpu.memory_space<vmem_shared>>) dst(%dma_wait3A_34 : memref<3200xf32, #tpu.memory_space<hbm>>)
        tpu.yield
      }) : () -> ()
    }
    %scan3A_9 = arith.constant 8 : i32
    return
  }
}

module attributes {stable_mosaic.version = 14 : i64} {
  func.func @_inv_body(%arg0: i32, %arg1: i32, %arg2: memref<1x2048x16xf32, #tpu.memory_space<vmem>>, %arg3: memref<1x1x2048xf32, #tpu.memory_space<vmem>>) attributes {dimension_semantics = [#tpu.dimension_semantics<arbitrary>, #tpu.dimension_semantics<arbitrary>], iteration_bounds = array<i64: 8, 25>, scalar_prefetch = 0 : i64, scratch_operands = 0 : i64, tpu.core_type = #tpu.core_type<tc>, window_params = [{transform_indices = @transform_0, window_bounds = array<i64: 1, 2048, 16>}, {transform_indices = @transform_1, window_bounds = array<i64: 1, 1, 2048>}]} {
    %get3A = arith.constant 0 : index
    %get3A_0 = arith.constant 0 : index
    %get3A_1 = arith.constant 0 : index
    %get3A_2 = vector.load %arg2[%get3A, %get3A_0, %get3A_1] : memref<1x2048x16xf32, #tpu.memory_space<vmem>>, vector<1x2048x16xf32>
    %slice3A = vector.extract_strided_slice %get3A_2 {offsets = [0, 0, 15], sizes = [1, 2048, 1], strides = [1, 1, 1]} : vector<1x2048x16xf32> to vector<1x2048x1xf32>
    %squeeze3A = vector.shape_cast %slice3A : vector<1x2048x1xf32> to vector<1x2048xf32>
    %max3A = arith.constant 1.000000e+00 : f32
    %max3A_3 = vector.broadcast %max3A : f32 to vector<1x2048xf32>
    %max3A_4 = arith.maximumf %squeeze3A, %max3A_3 : vector<1x2048xf32>
    %div3A = arith.constant 1.000000e+00 : f32
    %div3A_5 = vector.broadcast %div3A : f32 to vector<1x2048xf32>
    %div3A_6 = arith.divf %div3A_5, %max3A_4 : vector<1x2048xf32>
    %broadcast_in_dim3A = vector.shape_cast %div3A_6 : vector<1x2048xf32> to vector<1x1x2048xf32>
    %swap3A = arith.constant 0 : index
    %swap3A_7 = arith.constant 0 : index
    %swap3A_8 = arith.constant 0 : index
    %swap3A_9 = vector.load %arg3[%swap3A, %swap3A_7, %swap3A_8] : memref<1x1x2048xf32, #tpu.memory_space<vmem>>, vector<1x1x2048xf32>
    tpu.vector_store %arg3[%swap3A, %swap3A_7, %swap3A_8], %broadcast_in_dim3A {strides = array<i32>} : memref<1x1x2048xf32, #tpu.memory_space<vmem>>, vector<1x1x2048xf32>,
    return
  }
  func.func @transform_0(%arg0: i32, %arg1: i32) -> (i32, i32, i32) {
    %c0_i32 = arith.constant 0 : i32
    %c0_i32_0 = arith.constant 0 : i32
    return %arg0, %arg1, %c0_i32 : i32, i32, i32
  }
  func.func @transform_1(%arg0: i32, %arg1: i32) -> (i32, i32, i32) {
    %c0_i32 = arith.constant 0 : i32
    %c0_i32_0 = arith.constant 0 : i32
    return %arg0, %c0_i32, %arg1 : i32, i32, i32
  }
}

module attributes {stable_mosaic.version = 14 : i64} {
  func.func @_dense_body(%arg0: i32, %arg1: i32, %arg2: memref<1x2048x16xf32, #tpu.memory_space<vmem>>, %arg3: memref<1x2048x16xf32, #tpu.memory_space<vmem>>, %arg4: memref<1x1x2048xf32, #tpu.memory_space<vmem>>, %arg5: memref<1x2x2048xf32, #tpu.memory_space<vmem>>, %arg6: memref<16x64xf32, #tpu.memory_space<vmem>>, %arg7: memref<1x64xf32, #tpu.memory_space<vmem>>, %arg8: memref<16x64xf32, #tpu.memory_space<vmem>>, %arg9: memref<1x1x64xf32, #tpu.memory_space<vmem>>, %arg10: memref<1x1x64xf32, #tpu.memory_space<vmem>>) attributes {dimension_semantics = [#tpu.dimension_semantics<arbitrary>, #tpu.dimension_semantics<arbitrary>], iteration_bounds = array<i64: 8, 25>, scalar_prefetch = 0 : i64, scratch_operands = 0 : i64, tpu.core_type = #tpu.core_type<tc>, window_params = [{transform_indices = @transform_0, window_bounds = array<i64: 1, 2048, 16>}, {transform_indices = @transform_1, window_bounds = array<i64: 1, 2048, 16>}, {transform_indices = @transform_2, window_bounds = array<i64: 1, 1, 2048>}, {transform_indices = @transform_3, window_bounds = array<i64: 1, 2, 2048>}, {pipeline_mode = #tpu.pipeline_mode<synchronous>, transform_indices = @transform_4, window_bounds = array<i64: 16, 64>}, {pipeline_mode = #tpu.pipeline_mode<synchronous>, transform_indices = @transform_5, window_bounds = array<i64: 1, 64>}, {pipeline_mode = #tpu.pipeline_mode<synchronous>, transform_indices = @transform_6, window_bounds = array<i64: 16, 64>}, {transform_indices = @transform_7, window_bounds = array<i64: 1, 1, 64>}, {transform_indices = @transform_8, window_bounds = array<i64: 1, 1, 64>}]} {
    %get3A = arith.constant 0 : index
    %get3A_0 = arith.constant 0 : index
    %get3A_1 = arith.constant 0 : index
    %get3A_2 = vector.load %arg2[%get3A, %get3A_0, %get3A_1] : memref<1x2048x16xf32, #tpu.memory_space<vmem>>, vector<1x2048x16xf32>
    %get3A_3 = vector.shape_cast %get3A_2 : vector<1x2048x16xf32> to vector<2048x16xf32>
    %get3A_4 = arith.constant 0 : index
    %get3A_5 = arith.constant 0 : index
    %get3A_6 = arith.constant 0 : index
    %get3A_7 = vector.load %arg3[%get3A_4, %get3A_5, %get3A_6] : memref<1x2048x16xf32, #tpu.memory_space<vmem>>, vector<1x2048x16xf32>
    %get3A_8 = vector.shape_cast %get3A_7 : vector<1x2048x16xf32> to vector<2048x16xf32>
    %get3A_9 = arith.constant 0 : index
    %get3A_10 = arith.constant 0 : index
    %get3A_11 = arith.constant 0 : index
    %get3A_12 = vector.load %arg4[%get3A_9, %get3A_10, %get3A_11] : memref<1x1x2048xf32, #tpu.memory_space<vmem>>, vector<1x1x2048xf32>
    %get3A_13 = vector.shape_cast %get3A_12 : vector<1x1x2048xf32> to vector<2048xf32>
    %broadcast_in_dim3A = vector.shape_cast %get3A_13 : vector<2048xf32> to vector<2048x1xf32>
    %mul3A = vector.broadcast %broadcast_in_dim3A : vector<2048x1xf32> to vector<2048x16xf32>
    %mul3A_14 = arith.mulf %get3A_8, %mul3A : vector<2048x16xf32>
    %get3A_15 = arith.constant 0 : index
    %get3A_16 = arith.constant 0 : index
    %get3A_17 = vector.load %arg6[%get3A_15, %get3A_16] : memref<16x64xf32, #tpu.memory_space<vmem>>, vector<16x64xf32>
    %dot_general3A = arith.constant dense<0.000000e+00> : vector<2048x64xf32>
    %dot_general3A_18 = tpu.matmul %mul3A_14, %get3A_17, %dot_general3A {dimension_numbers = #tpu.dot_dimension_numbers<[1], [0], [0], [1], [0, 0, 1, 1], [], []>, transpose_lhs_hint = false} : vector<2048x16xf32>, vector<16x64xf32>, vector<2048x64xf32> -> vector<2048x64xf32>
    %get3A_19 = arith.constant 0 : index
    %get3A_20 = arith.constant 0 : index
    %get3A_21 = vector.load %arg8[%get3A_19, %get3A_20] : memref<16x64xf32, #tpu.memory_space<vmem>>, vector<16x64xf32>
    %dot_general3A_22 = arith.constant dense<0.000000e+00> : vector<2048x64xf32>
    %dot_general3A_23 = tpu.matmul %get3A_3, %get3A_21, %dot_general3A_22 {dimension_numbers = #tpu.dot_dimension_numbers<[1], [0], [0], [1], [0, 0, 1, 1], [], []>, transpose_lhs_hint = false} : vector<2048x16xf32>, vector<16x64xf32>, vector<2048x64xf32> -> vector<2048x64xf32>
    %add3A = arith.addf %dot_general3A_18, %dot_general3A_23 : vector<2048x64xf32>
    %get3A_24 = arith.constant 0 : index
    %get3A_25 = arith.constant 0 : index
    %get3A_26 = vector.load %arg7[%get3A_24, %get3A_25] : memref<1x64xf32, #tpu.memory_space<vmem>>, vector<1x64xf32>
    %add3A_27 = vector.broadcast %get3A_26 : vector<1x64xf32> to vector<2048x64xf32>
    %add3A_28 = arith.addf %add3A, %add3A_27 : vector<2048x64xf32>
    %max3A = arith.constant 0.000000e+00 : f32
    %max3A_29 = vector.broadcast %max3A : f32 to vector<2048x64xf32>
    %max3A_30 = arith.maximumf %add3A_28, %max3A_29 : vector<2048x64xf32>
    %mul3A_31 = arith.constant 2048 : i32
    %mul3A_32 = arith.muli %arg1, %mul3A_31 : i32
    %iota3A = tpu.iota {dimensions = array<i32: 0>} : vector<2048x1xi32>
    %add3A_33 = vector.broadcast %mul3A_32 : i32 to vector<2048x1xi32>
    %add3A_34 = arith.addi %add3A_33, %iota3A : vector<2048x1xi32>
    %lt3A = arith.constant 50000 : i32
    %lt3A_35 = vector.broadcast %lt3A : i32 to vector<2048x1xi32>
    %lt3A_36 = arith.cmpi slt, %add3A_34, %lt3A_35 : vector<2048x1xi32>
    %jit3A = arith.constant 0.000000e+00 : f32
    %broadcast_in_dim3A_37 = vector.shape_cast %lt3A_36 : vector<2048x1xi1> to vector<2048x1xi1>
    %broadcast_in_dim3A_38 = vector.broadcast %broadcast_in_dim3A_37 : vector<2048x1xi1> to vector<2048x64xi1>
    %broadcast_in_dim3A_39 = vector.broadcast %jit3A : f32 to vector<2048x64xf32>
    %select_n3A = arith.select %broadcast_in_dim3A_38, %max3A_30, %broadcast_in_dim3A_39 : vector<2048x64xi1>, vector<2048x64xf32>
    %get3A_40 = arith.constant 0 : index
    %get3A_41 = arith.constant 0 : index
    %get3A_42 = arith.constant 0 : index
    %get3A_43 = vector.load %arg5[%get3A_40, %get3A_41, %get3A_42] : memref<1x2x2048xf32, #tpu.memory_space<vmem>>, vector<1x2x2048xf32>
    %get3A_44 = vector.shape_cast %get3A_43 : vector<1x2x2048xf32> to vector<2x2048xf32>
    %reduce_sum3A = arith.constant dense<0.000000e+00> : vector<2048xf32>
    %reduce_sum3A_45 = vector.multi_reduction <add>, %get3A_44, %reduce_sum3A [0] : vector<2x2048xf32> to vector<2048xf32>
    %broadcast_in_dim3A_46 = vector.shape_cast %reduce_sum3A_45 : vector<2048xf32> to vector<1x2048xf32>
    %dot_general3A_47 = arith.constant dense<0.000000e+00> : vector<1x64xf32>
    %dot_general3A_48 = tpu.matmul %broadcast_in_dim3A_46, %select_n3A, %dot_general3A_47 {dimension_numbers = #tpu.dot_dimension_numbers<[1], [0], [0], [1], [0, 0, 1, 1], [], []>, transpose_lhs_hint = false} : vector<1x2048xf32>, vector<2048x64xf32>, vector<1x64xf32> -> vector<1x64xf32>
    %reduce_sum3A_49 = arith.constant dense<0.000000e+00> : vector<64xf32>
    %reduce_sum3A_50 = vector.multi_reduction <add>, %select_n3A, %reduce_sum3A_49 [0] : vector<2048x64xf32> to vector<64xf32>
    %broadcast_in_dim3A_51 = vector.shape_cast %reduce_sum3A_50 : vector<64xf32> to vector<1x64xf32>
    %eq3A = arith.constant 0 : i32
    %eq3A_52 = arith.cmpi eq, %arg1, %eq3A : i32
    %convert_element_type3A = arith.extui %eq3A_52 : i1 to i32
    %cond3A = arith.constant 0 : i32
    %cond3A_53 = arith.cmpi ne, %convert_element_type3A, %cond3A : i32
    scf.if %cond3A_53 {
      %broadcast_in_dim3A_73 = arith.constant 0.000000e+00 : f32
      %broadcast_in_dim3A_74 = vector.broadcast %broadcast_in_dim3A_73 : f32 to vector<1x1x64xf32>
      %swap3A_75 = arith.constant 0 : index
      %swap3A_76 = arith.constant 0 : index
      %swap3A_77 = arith.constant 0 : index
      %swap3A_78 = vector.load %arg9[%swap3A_75, %swap3A_76, %swap3A_77] : memref<1x1x64xf32, #tpu.memory_space<vmem>>, vector<1x1x64xf32>
      tpu.vector_store %arg9[%swap3A_75, %swap3A_76, %swap3A_77], %broadcast_in_dim3A_74 {strides = array<i32>} : memref<1x1x64xf32, #tpu.memory_space<vmem>>, vector<1x1x64xf32>,
      %broadcast_in_dim3A_79 = arith.constant 0.000000e+00 : f32
      %broadcast_in_dim3A_80 = vector.broadcast %broadcast_in_dim3A_79 : f32 to vector<1x1x64xf32>
      %swap3A_81 = arith.constant 0 : index
      %swap3A_82 = arith.constant 0 : index
      %swap3A_83 = arith.constant 0 : index
      %swap3A_84 = vector.load %arg10[%swap3A_81, %swap3A_82, %swap3A_83] : memref<1x1x64xf32, #tpu.memory_space<vmem>>, vector<1x1x64xf32>
      tpu.vector_store %arg10[%swap3A_81, %swap3A_82, %swap3A_83], %broadcast_in_dim3A_80 {strides = array<i32>} : memref<1x1x64xf32, #tpu.memory_space<vmem>>, vector<1x1x64xf32>,
    } else {
    }
    %get3A_54 = arith.constant 0 : index
    %get3A_55 = arith.constant 0 : index
    %get3A_56 = arith.constant 0 : index
    %get3A_57 = vector.load %arg9[%get3A_54, %get3A_55, %get3A_56] : memref<1x1x64xf32, #tpu.memory_space<vmem>>, vector<1x1x64xf32>
    %broadcast_in_dim3A_58 = vector.shape_cast %dot_general3A_48 : vector<1x64xf32> to vector<1x1x64xf32>
    %add3A_59 = arith.addf %get3A_57, %broadcast_in_dim3A_58 : vector<1x1x64xf32>
    %swap3A = arith.constant 0 : index
    %swap3A_60 = arith.constant 0 : index
    %swap3A_61 = arith.constant 0 : index
    %swap3A_62 = vector.load %arg9[%swap3A, %swap3A_60, %swap3A_61] : memref<1x1x64xf32, #tpu.memory_space<vmem>>, vector<1x1x64xf32>
    tpu.vector_store %arg9[%swap3A, %swap3A_60, %swap3A_61], %add3A_59 {strides = array<i32>} : memref<1x1x64xf32, #tpu.memory_space<vmem>>, vector<1x1x64xf32>,
    %get3A_63 = arith.constant 0 : index
    %get3A_64 = arith.constant 0 : index
    %get3A_65 = arith.constant 0 : index
    %get3A_66 = vector.load %arg10[%get3A_63, %get3A_64, %get3A_65] : memref<1x1x64xf32, #tpu.memory_space<vmem>>, vector<1x1x64xf32>
    %broadcast_in_dim3A_67 = vector.shape_cast %broadcast_in_dim3A_51 : vector<1x64xf32> to vector<1x1x64xf32>
    %add3A_68 = arith.addf %get3A_66, %broadcast_in_dim3A_67 : vector<1x1x64xf32>
    %swap3A_69 = arith.constant 0 : index
    %swap3A_70 = arith.constant 0 : index
    %swap3A_71 = arith.constant 0 : index
    %swap3A_72 = vector.load %arg10[%swap3A_69, %swap3A_70, %swap3A_71] : memref<1x1x64xf32, #tpu.memory_space<vmem>>, vector<1x1x64xf32>
    tpu.vector_store %arg10[%swap3A_69, %swap3A_70, %swap3A_71], %add3A_68 {strides = array<i32>} : memref<1x1x64xf32, #tpu.memory_space<vmem>>, vector<1x1x64xf32>,
    return
  }
  func.func @transform_0(%arg0: i32, %arg1: i32) -> (i32, i32, i32) {
    %c0_i32 = arith.constant 0 : i32
    %c0_i32_0 = arith.constant 0 : i32
    return %arg0, %arg1, %c0_i32 : i32, i32, i32
  }
  func.func @transform_1(%arg0: i32, %arg1: i32) -> (i32, i32, i32) {
    %c0_i32 = arith.constant 0 : i32
    %c0_i32_0 = arith.constant 0 : i32
    return %arg0, %arg1, %c0_i32 : i32, i32, i32
  }
  func.func @transform_2(%arg0: i32, %arg1: i32) -> (i32, i32, i32) {
    %c0_i32 = arith.constant 0 : i32
    %c0_i32_0 = arith.constant 0 : i32
    return %arg0, %c0_i32, %arg1 : i32, i32, i32
  }
  func.func @transform_3(%arg0: i32, %arg1: i32) -> (i32, i32, i32) {
    %c0_i32 = arith.constant 0 : i32
    %c0_i32_0 = arith.constant 0 : i32
    return %arg0, %c0_i32, %arg1 : i32, i32, i32
  }
  func.func @transform_4(%arg0: i32, %arg1: i32) -> (i32, i32) {
    %c0_i32 = arith.constant 0 : i32
    %c0_i32_0 = arith.constant 0 : i32
    %c0_i32_1 = arith.constant 0 : i32
    return %c0_i32, %c0_i32_0 : i32, i32
  }
  func.func @transform_5(%arg0: i32, %arg1: i32) -> (i32, i32) {
    %c0_i32 = arith.constant 0 : i32
    %c0_i32_0 = arith.constant 0 : i32
    %c0_i32_1 = arith.constant 0 : i32
    return %c0_i32, %c0_i32_0 : i32, i32
  }
  func.func @transform_6(%arg0: i32, %arg1: i32) -> (i32, i32) {
    %c0_i32 = arith.constant 0 : i32
    %c0_i32_0 = arith.constant 0 : i32
    %c0_i32_1 = arith.constant 0 : i32
    return %c0_i32, %c0_i32_0 : i32, i32
  }
  func.func @transform_7(%arg0: i32, %arg1: i32) -> (i32, i32, i32) {
    %c0_i32 = arith.constant 0 : i32
    %c0_i32_0 = arith.constant 0 : i32
    %c0_i32_1 = arith.constant 0 : i32
    return %arg0, %c0_i32, %c0_i32_0 : i32, i32, i32
  }
  func.func @transform_8(%arg0: i32, %arg1: i32) -> (i32, i32, i32) {
    %c0_i32 = arith.constant 0 : i32
    %c0_i32_0 = arith.constant 0 : i32
    %c0_i32_1 = arith.constant 0 : i32
    return %arg0, %c0_i32, %c0_i32_0 : i32, i32, i32
  }
}

module attributes {stable_mosaic.version = 14 : i64} {
  func.func @_head_body(%arg0: memref<8x64xf32, #tpu.memory_space<vmem>>, %arg1: memref<8x64xf32, #tpu.memory_space<vmem>>, %arg2: memref<64x64xf32, #tpu.memory_space<vmem>>, %arg3: memref<1x64xf32, #tpu.memory_space<vmem>>, %arg4: memref<64x64xf32, #tpu.memory_space<vmem>>, %arg5: memref<64x192xf32, #tpu.memory_space<vmem>>, %arg6: memref<64x192xf32, #tpu.memory_space<vmem>>, %arg7: memref<1x192xf32, #tpu.memory_space<vmem>>, %arg8: memref<1x192xf32, #tpu.memory_space<vmem>>, %arg9: memref<64x32xf32, #tpu.memory_space<vmem>>, %arg10: memref<1x32xf32, #tpu.memory_space<vmem>>, %arg11: memref<32x8xf32, #tpu.memory_space<vmem>>, %arg12: memref<1x8xf32, #tpu.memory_space<vmem>>, %arg13: memref<1x8xf32, #tpu.memory_space<vmem>>) attributes {dimension_semantics = [], scalar_prefetch = 0 : i64, scratch_operands = 0 : i64, tpu.core_type = #tpu.core_type<tc>} {
    %get3A = arith.constant 0 : index
    %get3A_0 = arith.constant 0 : index
    %get3A_1 = vector.load %arg0[%get3A, %get3A_0] : memref<8x64xf32, #tpu.memory_space<vmem>>, vector<8x64xf32>
    %mul3A = arith.constant 2.000000e-05 : f32
    %mul3A_2 = vector.broadcast %mul3A : f32 to vector<8x64xf32>
    %mul3A_3 = arith.mulf %get3A_1, %mul3A_2 : vector<8x64xf32>
    %get3A_4 = arith.constant 0 : index
    %get3A_5 = arith.constant 0 : index
    %get3A_6 = vector.load %arg2[%get3A_4, %get3A_5] : memref<64x64xf32, #tpu.memory_space<vmem>>, vector<64x64xf32>
    %dot_general3A = arith.constant dense<0.000000e+00> : vector<8x64xf32>
    %dot_general3A_7 = tpu.matmul %mul3A_3, %get3A_6, %dot_general3A {dimension_numbers = #tpu.dot_dimension_numbers<[1], [0], [0], [1], [0, 0, 1, 1], [], []>, transpose_lhs_hint = false} : vector<8x64xf32>, vector<64x64xf32>, vector<8x64xf32> -> vector<8x64xf32>
    %get3A_8 = arith.constant 0 : index
    %get3A_9 = arith.constant 0 : index
    %get3A_10 = vector.load %arg3[%get3A_8, %get3A_9] : memref<1x64xf32, #tpu.memory_space<vmem>>, vector<1x64xf32>
    %add3A = vector.broadcast %get3A_10 : vector<1x64xf32> to vector<8x64xf32>
    %add3A_11 = arith.addf %dot_general3A_7, %add3A : vector<8x64xf32>
    %get3A_12 = arith.constant 0 : index
    %get3A_13 = arith.constant 0 : index
    %get3A_14 = vector.load %arg1[%get3A_12, %get3A_13] : memref<8x64xf32, #tpu.memory_space<vmem>>, vector<8x64xf32>
    %mul3A_15 = arith.constant 2.000000e-05 : f32
    %mul3A_16 = vector.broadcast %mul3A_15 : f32 to vector<8x64xf32>
    %mul3A_17 = arith.mulf %get3A_14, %mul3A_16 : vector<8x64xf32>
    %get3A_18 = arith.constant 0 : index
    %get3A_19 = arith.constant 0 : index
    %get3A_20 = vector.load %arg4[%get3A_18, %get3A_19] : memref<64x64xf32, #tpu.memory_space<vmem>>, vector<64x64xf32>
    %dot_general3A_21 = arith.constant dense<0.000000e+00> : vector<8x64xf32>
    %dot_general3A_22 = tpu.matmul %mul3A_17, %get3A_20, %dot_general3A_21 {dimension_numbers = #tpu.dot_dimension_numbers<[1], [0], [0], [1], [0, 0, 1, 1], [], []>, transpose_lhs_hint = false} : vector<8x64xf32>, vector<64x64xf32>, vector<8x64xf32> -> vector<8x64xf32>
    %add3A_23 = arith.addf %add3A_11, %dot_general3A_22 : vector<8x64xf32>
    %get3A_24 = arith.constant 0 : index
    %get3A_25 = arith.constant 0 : index
    %get3A_26 = vector.load %arg5[%get3A_24, %get3A_25] : memref<64x192xf32, #tpu.memory_space<vmem>>, vector<64x192xf32>
    %dot_general3A_27 = arith.constant dense<0.000000e+00> : vector<8x192xf32>
    %dot_general3A_28 = tpu.matmul %add3A_23, %get3A_26, %dot_general3A_27 {dimension_numbers = #tpu.dot_dimension_numbers<[1], [0], [0], [1], [0, 0, 1, 1], [], []>, transpose_lhs_hint = false} : vector<8x64xf32>, vector<64x192xf32>, vector<8x192xf32> -> vector<8x192xf32>
    %get3A_29 = arith.constant 0 : index
    %get3A_30 = arith.constant 0 : index
    %get3A_31 = vector.load %arg7[%get3A_29, %get3A_30] : memref<1x192xf32, #tpu.memory_space<vmem>>, vector<1x192xf32>
    %add3A_32 = vector.broadcast %get3A_31 : vector<1x192xf32> to vector<8x192xf32>
    %add3A_33 = arith.addf %dot_general3A_28, %add3A_32 : vector<8x192xf32>
    %broadcast_in_dim3A = arith.constant 0.000000e+00 : f32
    %broadcast_in_dim3A_34 = vector.broadcast %broadcast_in_dim3A : f32 to vector<1x64xf32>
    %slice3A = vector.extract_strided_slice %add3A_33 {offsets = [0, 0], sizes = [1, 192], strides = [1, 1]} : vector<8x192xf32> to vector<1x192xf32>
    %get3A_35 = arith.constant 0 : index
    %get3A_36 = arith.constant 0 : index
    %get3A_37 = vector.load %arg6[%get3A_35, %get3A_36] : memref<64x192xf32, #tpu.memory_space<vmem>>, vector<64x192xf32>
    %dot_general3A_38 = arith.constant dense<0.000000e+00> : vector<1x192xf32>
    %dot_general3A_39 = tpu.matmul %broadcast_in_dim3A_34, %get3A_37, %dot_general3A_38 {dimension_numbers = #tpu.dot_dimension_numbers<[1], [0], [0], [1], [0, 0, 1, 1], [], []>, transpose_lhs_hint = false} : vector<1x64xf32>, vector<64x192xf32>, vector<1x192xf32> -> vector<1x192xf32>
    %get3A_40 = arith.constant 0 : index
    %get3A_41 = arith.constant 0 : index
    %get3A_42 = vector.load %arg8[%get3A_40, %get3A_41] : memref<1x192xf32, #tpu.memory_space<vmem>>, vector<1x192xf32>
    %add3A_43 = arith.addf %dot_general3A_39, %get3A_42 : vector<1x192xf32>
    %slice3A_44 = vector.extract_strided_slice %slice3A {offsets = [0, 0], sizes = [1, 64], strides = [1, 1]} : vector<1x192xf32> to vector<1x64xf32>
    %slice3A_45 = vector.extract_strided_slice %add3A_43 {offsets = [0, 0], sizes = [1, 64], strides = [1, 1]} : vector<1x192xf32> to vector<1x64xf32>
    %add3A_46 = arith.addf %slice3A_44, %slice3A_45 : vector<1x64xf32>
    %logistic3A = arith.negf %add3A_46 : vector<1x64xf32>
    %logistic3A_47 = math.exp %logistic3A : vector<1x64xf32>
    %logistic3A_48 = arith.constant 1.000000e+00 : f32
    %logistic3A_49 = vector.broadcast %logistic3A_48 : f32 to vector<1x64xf32>
    %logistic3A_50 = arith.addf %logistic3A_49, %logistic3A_47 : vector<1x64xf32>
    %logistic3A_51 = arith.divf %logistic3A_49, %logistic3A_50 : vector<1x64xf32>
    %slice3A_52 = vector.extract_strided_slice %slice3A {offsets = [0, 64], sizes = [1, 64], strides = [1, 1]} : vector<1x192xf32> to vector<1x64xf32>
    %slice3A_53 = vector.extract_strided_slice %add3A_43 {offsets = [0, 64], sizes = [1, 64], strides = [1, 1]} : vector<1x192xf32> to vector<1x64xf32>
    %add3A_54 = arith.addf %slice3A_52, %slice3A_53 : vector<1x64xf32>
    %logistic3A_55 = arith.negf %add3A_54 : vector<1x64xf32>
    %logistic3A_56 = math.exp %logistic3A_55 : vector<1x64xf32>
    %logistic3A_57 = arith.constant 1.000000e+00 : f32
    %logistic3A_58 = vector.broadcast %logistic3A_57 : f32 to vector<1x64xf32>
    %logistic3A_59 = arith.addf %logistic3A_58, %logistic3A_56 : vector<1x64xf32>
    %logistic3A_60 = arith.divf %logistic3A_58, %logistic3A_59 : vector<1x64xf32>
    %slice3A_61 = vector.extract_strided_slice %slice3A {offsets = [0, 128], sizes = [1, 64], strides = [1, 1]} : vector<1x192xf32> to vector<1x64xf32>
    %slice3A_62 = vector.extract_strided_slice %add3A_43 {offsets = [0, 128], sizes = [1, 64], strides = [1, 1]} : vector<1x192xf32> to vector<1x64xf32>
    %mul3A_63 = arith.mulf %logistic3A_51, %slice3A_62 : vector<1x64xf32>
    %add3A_64 = arith.addf %slice3A_61, %mul3A_63 : vector<1x64xf32>
    %tanh3A = math.tanh %add3A_64 : vector<1x64xf32>
    %sub3A = arith.constant 1.000000e+00 : f32
    %sub3A_65 = vector.broadcast %sub3A : f32 to vector<1x64xf32>
    %sub3A_66 = arith.subf %sub3A_65, %logistic3A_60 : vector<1x64xf32>
    %mul3A_67 = arith.mulf %sub3A_66, %tanh3A : vector<1x64xf32>
    %mul3A_68 = arith.mulf %logistic3A_60, %broadcast_in_dim3A_34 : vector<1x64xf32>
    %add3A_69 = arith.addf %mul3A_67, %mul3A_68 : vector<1x64xf32>
    %slice3A_70 = vector.extract_strided_slice %add3A_33 {offsets = [1, 0], sizes = [1, 192], strides = [1, 1]} : vector<8x192xf32> to vector<1x192xf32>
    %get3A_71 = arith.constant 0 : index
    %get3A_72 = arith.constant 0 : index
    %get3A_73 = vector.load %arg6[%get3A_71, %get3A_72] : memref<64x192xf32, #tpu.memory_space<vmem>>, vector<64x192xf32>
    %dot_general3A_74 = arith.constant dense<0.000000e+00> : vector<1x192xf32>
    %dot_general3A_75 = tpu.matmul %add3A_69, %get3A_73, %dot_general3A_74 {dimension_numbers = #tpu.dot_dimension_numbers<[1], [0], [0], [1], [0, 0, 1, 1], [], []>, transpose_lhs_hint = false} : vector<1x64xf32>, vector<64x192xf32>, vector<1x192xf32> -> vector<1x192xf32>
    %get3A_76 = arith.constant 0 : index
    %get3A_77 = arith.constant 0 : index
    %get3A_78 = vector.load %arg8[%get3A_76, %get3A_77] : memref<1x192xf32, #tpu.memory_space<vmem>>, vector<1x192xf32>
    %add3A_79 = arith.addf %dot_general3A_75, %get3A_78 : vector<1x192xf32>
    %slice3A_80 = vector.extract_strided_slice %slice3A_70 {offsets = [0, 0], sizes = [1, 64], strides = [1, 1]} : vector<1x192xf32> to vector<1x64xf32>
    %slice3A_81 = vector.extract_strided_slice %add3A_79 {offsets = [0, 0], sizes = [1, 64], strides = [1, 1]} : vector<1x192xf32> to vector<1x64xf32>
    %add3A_82 = arith.addf %slice3A_80, %slice3A_81 : vector<1x64xf32>
    %logistic3A_83 = arith.negf %add3A_82 : vector<1x64xf32>
    %logistic3A_84 = math.exp %logistic3A_83 : vector<1x64xf32>
    %logistic3A_85 = arith.constant 1.000000e+00 : f32
    %logistic3A_86 = vector.broadcast %logistic3A_85 : f32 to vector<1x64xf32>
    %logistic3A_87 = arith.addf %logistic3A_86, %logistic3A_84 : vector<1x64xf32>
    %logistic3A_88 = arith.divf %logistic3A_86, %logistic3A_87 : vector<1x64xf32>
    %slice3A_89 = vector.extract_strided_slice %slice3A_70 {offsets = [0, 64], sizes = [1, 64], strides = [1, 1]} : vector<1x192xf32> to vector<1x64xf32>
    %slice3A_90 = vector.extract_strided_slice %add3A_79 {offsets = [0, 64], sizes = [1, 64], strides = [1, 1]} : vector<1x192xf32> to vector<1x64xf32>
    %add3A_91 = arith.addf %slice3A_89, %slice3A_90 : vector<1x64xf32>
    %logistic3A_92 = arith.negf %add3A_91 : vector<1x64xf32>
    %logistic3A_93 = math.exp %logistic3A_92 : vector<1x64xf32>
    %logistic3A_94 = arith.constant 1.000000e+00 : f32
    %logistic3A_95 = vector.broadcast %logistic3A_94 : f32 to vector<1x64xf32>
    %logistic3A_96 = arith.addf %logistic3A_95, %logistic3A_93 : vector<1x64xf32>
    %logistic3A_97 = arith.divf %logistic3A_95, %logistic3A_96 : vector<1x64xf32>
    %slice3A_98 = vector.extract_strided_slice %slice3A_70 {offsets = [0, 128], sizes = [1, 64], strides = [1, 1]} : vector<1x192xf32> to vector<1x64xf32>
    %slice3A_99 = vector.extract_strided_slice %add3A_79 {offsets = [0, 128], sizes = [1, 64], strides = [1, 1]} : vector<1x192xf32> to vector<1x64xf32>
    %mul3A_100 = arith.mulf %logistic3A_88, %slice3A_99 : vector<1x64xf32>
    %add3A_101 = arith.addf %slice3A_98, %mul3A_100 : vector<1x64xf32>
    %tanh3A_102 = math.tanh %add3A_101 : vector<1x64xf32>
    %sub3A_103 = arith.constant 1.000000e+00 : f32
    %sub3A_104 = vector.broadcast %sub3A_103 : f32 to vector<1x64xf32>
    %sub3A_105 = arith.subf %sub3A_104, %logistic3A_97 : vector<1x64xf32>
    %mul3A_106 = arith.mulf %sub3A_105, %tanh3A_102 : vector<1x64xf32>
    %mul3A_107 = arith.mulf %logistic3A_97, %add3A_69 : vector<1x64xf32>
    %add3A_108 = arith.addf %mul3A_106, %mul3A_107 : vector<1x64xf32>
    %slice3A_109 = vector.extract_strided_slice %add3A_33 {offsets = [2, 0], sizes = [1, 192], strides = [1, 1]} : vector<8x192xf32> to vector<1x192xf32>
    %get3A_110 = arith.constant 0 : index
    %get3A_111 = arith.constant 0 : index
    %get3A_112 = vector.load %arg6[%get3A_110, %get3A_111] : memref<64x192xf32, #tpu.memory_space<vmem>>, vector<64x192xf32>
    %dot_general3A_113 = arith.constant dense<0.000000e+00> : vector<1x192xf32>
    %dot_general3A_114 = tpu.matmul %add3A_108, %get3A_112, %dot_general3A_113 {dimension_numbers = #tpu.dot_dimension_numbers<[1], [0], [0], [1], [0, 0, 1, 1], [], []>, transpose_lhs_hint = false} : vector<1x64xf32>, vector<64x192xf32>, vector<1x192xf32> -> vector<1x192xf32>
    %get3A_115 = arith.constant 0 : index
    %get3A_116 = arith.constant 0 : index
    %get3A_117 = vector.load %arg8[%get3A_115, %get3A_116] : memref<1x192xf32, #tpu.memory_space<vmem>>, vector<1x192xf32>
    %add3A_118 = arith.addf %dot_general3A_114, %get3A_117 : vector<1x192xf32>
    %slice3A_119 = vector.extract_strided_slice %slice3A_109 {offsets = [0, 0], sizes = [1, 64], strides = [1, 1]} : vector<1x192xf32> to vector<1x64xf32>
    %slice3A_120 = vector.extract_strided_slice %add3A_118 {offsets = [0, 0], sizes = [1, 64], strides = [1, 1]} : vector<1x192xf32> to vector<1x64xf32>
    %add3A_121 = arith.addf %slice3A_119, %slice3A_120 : vector<1x64xf32>
    %logistic3A_122 = arith.negf %add3A_121 : vector<1x64xf32>
    %logistic3A_123 = math.exp %logistic3A_122 : vector<1x64xf32>
    %logistic3A_124 = arith.constant 1.000000e+00 : f32
    %logistic3A_125 = vector.broadcast %logistic3A_124 : f32 to vector<1x64xf32>
    %logistic3A_126 = arith.addf %logistic3A_125, %logistic3A_123 : vector<1x64xf32>
    %logistic3A_127 = arith.divf %logistic3A_125, %logistic3A_126 : vector<1x64xf32>
    %slice3A_128 = vector.extract_strided_slice %slice3A_109 {offsets = [0, 64], sizes = [1, 64], strides = [1, 1]} : vector<1x192xf32> to vector<1x64xf32>
    %slice3A_129 = vector.extract_strided_slice %add3A_118 {offsets = [0, 64], sizes = [1, 64], strides = [1, 1]} : vector<1x192xf32> to vector<1x64xf32>
    %add3A_130 = arith.addf %slice3A_128, %slice3A_129 : vector<1x64xf32>
    %logistic3A_131 = arith.negf %add3A_130 : vector<1x64xf32>
    %logistic3A_132 = math.exp %logistic3A_131 : vector<1x64xf32>
    %logistic3A_133 = arith.constant 1.000000e+00 : f32
    %logistic3A_134 = vector.broadcast %logistic3A_133 : f32 to vector<1x64xf32>
    %logistic3A_135 = arith.addf %logistic3A_134, %logistic3A_132 : vector<1x64xf32>
    %logistic3A_136 = arith.divf %logistic3A_134, %logistic3A_135 : vector<1x64xf32>
    %slice3A_137 = vector.extract_strided_slice %slice3A_109 {offsets = [0, 128], sizes = [1, 64], strides = [1, 1]} : vector<1x192xf32> to vector<1x64xf32>
    %slice3A_138 = vector.extract_strided_slice %add3A_118 {offsets = [0, 128], sizes = [1, 64], strides = [1, 1]} : vector<1x192xf32> to vector<1x64xf32>
    %mul3A_139 = arith.mulf %logistic3A_127, %slice3A_138 : vector<1x64xf32>
    %add3A_140 = arith.addf %slice3A_137, %mul3A_139 : vector<1x64xf32>
    %tanh3A_141 = math.tanh %add3A_140 : vector<1x64xf32>
    %sub3A_142 = arith.constant 1.000000e+00 : f32
    %sub3A_143 = vector.broadcast %sub3A_142 : f32 to vector<1x64xf32>
    %sub3A_144 = arith.subf %sub3A_143, %logistic3A_136 : vector<1x64xf32>
    %mul3A_145 = arith.mulf %sub3A_144, %tanh3A_141 : vector<1x64xf32>
    %mul3A_146 = arith.mulf %logistic3A_136, %add3A_108 : vector<1x64xf32>
    %add3A_147 = arith.addf %mul3A_145, %mul3A_146 : vector<1x64xf32>
    %slice3A_148 = vector.extract_strided_slice %add3A_33 {offsets = [3, 0], sizes = [1, 192], strides = [1, 1]} : vector<8x192xf32> to vector<1x192xf32>
    %get3A_149 = arith.constant 0 : index
    %get3A_150 = arith.constant 0 : index
    %get3A_151 = vector.load %arg6[%get3A_149, %get3A_150] : memref<64x192xf32, #tpu.memory_space<vmem>>, vector<64x192xf32>
    %dot_general3A_152 = arith.constant dense<0.000000e+00> : vector<1x192xf32>
    %dot_general3A_153 = tpu.matmul %add3A_147, %get3A_151, %dot_general3A_152 {dimension_numbers = #tpu.dot_dimension_numbers<[1], [0], [0], [1], [0, 0, 1, 1], [], []>, transpose_lhs_hint = false} : vector<1x64xf32>, vector<64x192xf32>, vector<1x192xf32> -> vector<1x192xf32>
    %get3A_154 = arith.constant 0 : index
    %get3A_155 = arith.constant 0 : index
    %get3A_156 = vector.load %arg8[%get3A_154, %get3A_155] : memref<1x192xf32, #tpu.memory_space<vmem>>, vector<1x192xf32>
    %add3A_157 = arith.addf %dot_general3A_153, %get3A_156 : vector<1x192xf32>
    %slice3A_158 = vector.extract_strided_slice %slice3A_148 {offsets = [0, 0], sizes = [1, 64], strides = [1, 1]} : vector<1x192xf32> to vector<1x64xf32>
    %slice3A_159 = vector.extract_strided_slice %add3A_157 {offsets = [0, 0], sizes = [1, 64], strides = [1, 1]} : vector<1x192xf32> to vector<1x64xf32>
    %add3A_160 = arith.addf %slice3A_158, %slice3A_159 : vector<1x64xf32>
    %logistic3A_161 = arith.negf %add3A_160 : vector<1x64xf32>
    %logistic3A_162 = math.exp %logistic3A_161 : vector<1x64xf32>
    %logistic3A_163 = arith.constant 1.000000e+00 : f32
    %logistic3A_164 = vector.broadcast %logistic3A_163 : f32 to vector<1x64xf32>
    %logistic3A_165 = arith.addf %logistic3A_164, %logistic3A_162 : vector<1x64xf32>
    %logistic3A_166 = arith.divf %logistic3A_164, %logistic3A_165 : vector<1x64xf32>
    %slice3A_167 = vector.extract_strided_slice %slice3A_148 {offsets = [0, 64], sizes = [1, 64], strides = [1, 1]} : vector<1x192xf32> to vector<1x64xf32>
    %slice3A_168 = vector.extract_strided_slice %add3A_157 {offsets = [0, 64], sizes = [1, 64], strides = [1, 1]} : vector<1x192xf32> to vector<1x64xf32>
    %add3A_169 = arith.addf %slice3A_167, %slice3A_168 : vector<1x64xf32>
    %logistic3A_170 = arith.negf %add3A_169 : vector<1x64xf32>
    %logistic3A_171 = math.exp %logistic3A_170 : vector<1x64xf32>
    %logistic3A_172 = arith.constant 1.000000e+00 : f32
    %logistic3A_173 = vector.broadcast %logistic3A_172 : f32 to vector<1x64xf32>
    %logistic3A_174 = arith.addf %logistic3A_173, %logistic3A_171 : vector<1x64xf32>
    %logistic3A_175 = arith.divf %logistic3A_173, %logistic3A_174 : vector<1x64xf32>
    %slice3A_176 = vector.extract_strided_slice %slice3A_148 {offsets = [0, 128], sizes = [1, 64], strides = [1, 1]} : vector<1x192xf32> to vector<1x64xf32>
    %slice3A_177 = vector.extract_strided_slice %add3A_157 {offsets = [0, 128], sizes = [1, 64], strides = [1, 1]} : vector<1x192xf32> to vector<1x64xf32>
    %mul3A_178 = arith.mulf %logistic3A_166, %slice3A_177 : vector<1x64xf32>
    %add3A_179 = arith.addf %slice3A_176, %mul3A_178 : vector<1x64xf32>
    %tanh3A_180 = math.tanh %add3A_179 : vector<1x64xf32>
    %sub3A_181 = arith.constant 1.000000e+00 : f32
    %sub3A_182 = vector.broadcast %sub3A_181 : f32 to vector<1x64xf32>
    %sub3A_183 = arith.subf %sub3A_182, %logistic3A_175 : vector<1x64xf32>
    %mul3A_184 = arith.mulf %sub3A_183, %tanh3A_180 : vector<1x64xf32>
    %mul3A_185 = arith.mulf %logistic3A_175, %add3A_147 : vector<1x64xf32>
    %add3A_186 = arith.addf %mul3A_184, %mul3A_185 : vector<1x64xf32>
    %slice3A_187 = vector.extract_strided_slice %add3A_33 {offsets = [4, 0], sizes = [1, 192], strides = [1, 1]} : vector<8x192xf32> to vector<1x192xf32>
    %get3A_188 = arith.constant 0 : index
    %get3A_189 = arith.constant 0 : index
    %get3A_190 = vector.load %arg6[%get3A_188, %get3A_189] : memref<64x192xf32, #tpu.memory_space<vmem>>, vector<64x192xf32>
    %dot_general3A_191 = arith.constant dense<0.000000e+00> : vector<1x192xf32>
    %dot_general3A_192 = tpu.matmul %add3A_186, %get3A_190, %dot_general3A_191 {dimension_numbers = #tpu.dot_dimension_numbers<[1], [0], [0], [1], [0, 0, 1, 1], [], []>, transpose_lhs_hint = false} : vector<1x64xf32>, vector<64x192xf32>, vector<1x192xf32> -> vector<1x192xf32>
    %get3A_193 = arith.constant 0 : index
    %get3A_194 = arith.constant 0 : index
    %get3A_195 = vector.load %arg8[%get3A_193, %get3A_194] : memref<1x192xf32, #tpu.memory_space<vmem>>, vector<1x192xf32>
    %add3A_196 = arith.addf %dot_general3A_192, %get3A_195 : vector<1x192xf32>
    %slice3A_197 = vector.extract_strided_slice %slice3A_187 {offsets = [0, 0], sizes = [1, 64], strides = [1, 1]} : vector<1x192xf32> to vector<1x64xf32>
    %slice3A_198 = vector.extract_strided_slice %add3A_196 {offsets = [0, 0], sizes = [1, 64], strides = [1, 1]} : vector<1x192xf32> to vector<1x64xf32>
    %add3A_199 = arith.addf %slice3A_197, %slice3A_198 : vector<1x64xf32>
    %logistic3A_200 = arith.negf %add3A_199 : vector<1x64xf32>
    %logistic3A_201 = math.exp %logistic3A_200 : vector<1x64xf32>
    %logistic3A_202 = arith.constant 1.000000e+00 : f32
    %logistic3A_203 = vector.broadcast %logistic3A_202 : f32 to vector<1x64xf32>
    %logistic3A_204 = arith.addf %logistic3A_203, %logistic3A_201 : vector<1x64xf32>
    %logistic3A_205 = arith.divf %logistic3A_203, %logistic3A_204 : vector<1x64xf32>
    %slice3A_206 = vector.extract_strided_slice %slice3A_187 {offsets = [0, 64], sizes = [1, 64], strides = [1, 1]} : vector<1x192xf32> to vector<1x64xf32>
    %slice3A_207 = vector.extract_strided_slice %add3A_196 {offsets = [0, 64], sizes = [1, 64], strides = [1, 1]} : vector<1x192xf32> to vector<1x64xf32>
    %add3A_208 = arith.addf %slice3A_206, %slice3A_207 : vector<1x64xf32>
    %logistic3A_209 = arith.negf %add3A_208 : vector<1x64xf32>
    %logistic3A_210 = math.exp %logistic3A_209 : vector<1x64xf32>
    %logistic3A_211 = arith.constant 1.000000e+00 : f32
    %logistic3A_212 = vector.broadcast %logistic3A_211 : f32 to vector<1x64xf32>
    %logistic3A_213 = arith.addf %logistic3A_212, %logistic3A_210 : vector<1x64xf32>
    %logistic3A_214 = arith.divf %logistic3A_212, %logistic3A_213 : vector<1x64xf32>
    %slice3A_215 = vector.extract_strided_slice %slice3A_187 {offsets = [0, 128], sizes = [1, 64], strides = [1, 1]} : vector<1x192xf32> to vector<1x64xf32>
    %slice3A_216 = vector.extract_strided_slice %add3A_196 {offsets = [0, 128], sizes = [1, 64], strides = [1, 1]} : vector<1x192xf32> to vector<1x64xf32>
    %mul3A_217 = arith.mulf %logistic3A_205, %slice3A_216 : vector<1x64xf32>
    %add3A_218 = arith.addf %slice3A_215, %mul3A_217 : vector<1x64xf32>
    %tanh3A_219 = math.tanh %add3A_218 : vector<1x64xf32>
    %sub3A_220 = arith.constant 1.000000e+00 : f32
    %sub3A_221 = vector.broadcast %sub3A_220 : f32 to vector<1x64xf32>
    %sub3A_222 = arith.subf %sub3A_221, %logistic3A_214 : vector<1x64xf32>
    %mul3A_223 = arith.mulf %sub3A_222, %tanh3A_219 : vector<1x64xf32>
    %mul3A_224 = arith.mulf %logistic3A_214, %add3A_186 : vector<1x64xf32>
    %add3A_225 = arith.addf %mul3A_223, %mul3A_224 : vector<1x64xf32>
    %slice3A_226 = vector.extract_strided_slice %add3A_33 {offsets = [5, 0], sizes = [1, 192], strides = [1, 1]} : vector<8x192xf32> to vector<1x192xf32>
    %get3A_227 = arith.constant 0 : index
    %get3A_228 = arith.constant 0 : index
    %get3A_229 = vector.load %arg6[%get3A_227, %get3A_228] : memref<64x192xf32, #tpu.memory_space<vmem>>, vector<64x192xf32>
    %dot_general3A_230 = arith.constant dense<0.000000e+00> : vector<1x192xf32>
    %dot_general3A_231 = tpu.matmul %add3A_225, %get3A_229, %dot_general3A_230 {dimension_numbers = #tpu.dot_dimension_numbers<[1], [0], [0], [1], [0, 0, 1, 1], [], []>, transpose_lhs_hint = false} : vector<1x64xf32>, vector<64x192xf32>, vector<1x192xf32> -> vector<1x192xf32>
    %get3A_232 = arith.constant 0 : index
    %get3A_233 = arith.constant 0 : index
    %get3A_234 = vector.load %arg8[%get3A_232, %get3A_233] : memref<1x192xf32, #tpu.memory_space<vmem>>, vector<1x192xf32>
    %add3A_235 = arith.addf %dot_general3A_231, %get3A_234 : vector<1x192xf32>
    %slice3A_236 = vector.extract_strided_slice %slice3A_226 {offsets = [0, 0], sizes = [1, 64], strides = [1, 1]} : vector<1x192xf32> to vector<1x64xf32>
    %slice3A_237 = vector.extract_strided_slice %add3A_235 {offsets = [0, 0], sizes = [1, 64], strides = [1, 1]} : vector<1x192xf32> to vector<1x64xf32>
    %add3A_238 = arith.addf %slice3A_236, %slice3A_237 : vector<1x64xf32>
    %logistic3A_239 = arith.negf %add3A_238 : vector<1x64xf32>
    %logistic3A_240 = math.exp %logistic3A_239 : vector<1x64xf32>
    %logistic3A_241 = arith.constant 1.000000e+00 : f32
    %logistic3A_242 = vector.broadcast %logistic3A_241 : f32 to vector<1x64xf32>
    %logistic3A_243 = arith.addf %logistic3A_242, %logistic3A_240 : vector<1x64xf32>
    %logistic3A_244 = arith.divf %logistic3A_242, %logistic3A_243 : vector<1x64xf32>
    %slice3A_245 = vector.extract_strided_slice %slice3A_226 {offsets = [0, 64], sizes = [1, 64], strides = [1, 1]} : vector<1x192xf32> to vector<1x64xf32>
    %slice3A_246 = vector.extract_strided_slice %add3A_235 {offsets = [0, 64], sizes = [1, 64], strides = [1, 1]} : vector<1x192xf32> to vector<1x64xf32>
    %add3A_247 = arith.addf %slice3A_245, %slice3A_246 : vector<1x64xf32>
    %logistic3A_248 = arith.negf %add3A_247 : vector<1x64xf32>
    %logistic3A_249 = math.exp %logistic3A_248 : vector<1x64xf32>
    %logistic3A_250 = arith.constant 1.000000e+00 : f32
    %logistic3A_251 = vector.broadcast %logistic3A_250 : f32 to vector<1x64xf32>
    %logistic3A_252 = arith.addf %logistic3A_251, %logistic3A_249 : vector<1x64xf32>
    %logistic3A_253 = arith.divf %logistic3A_251, %logistic3A_252 : vector<1x64xf32>
    %slice3A_254 = vector.extract_strided_slice %slice3A_226 {offsets = [0, 128], sizes = [1, 64], strides = [1, 1]} : vector<1x192xf32> to vector<1x64xf32>
    %slice3A_255 = vector.extract_strided_slice %add3A_235 {offsets = [0, 128], sizes = [1, 64], strides = [1, 1]} : vector<1x192xf32> to vector<1x64xf32>
    %mul3A_256 = arith.mulf %logistic3A_244, %slice3A_255 : vector<1x64xf32>
    %add3A_257 = arith.addf %slice3A_254, %mul3A_256 : vector<1x64xf32>
    %tanh3A_258 = math.tanh %add3A_257 : vector<1x64xf32>
    %sub3A_259 = arith.constant 1.000000e+00 : f32
    %sub3A_260 = vector.broadcast %sub3A_259 : f32 to vector<1x64xf32>
    %sub3A_261 = arith.subf %sub3A_260, %logistic3A_253 : vector<1x64xf32>
    %mul3A_262 = arith.mulf %sub3A_261, %tanh3A_258 : vector<1x64xf32>
    %mul3A_263 = arith.mulf %logistic3A_253, %add3A_225 : vector<1x64xf32>
    %add3A_264 = arith.addf %mul3A_262, %mul3A_263 : vector<1x64xf32>
    %slice3A_265 = vector.extract_strided_slice %add3A_33 {offsets = [6, 0], sizes = [1, 192], strides = [1, 1]} : vector<8x192xf32> to vector<1x192xf32>
    %get3A_266 = arith.constant 0 : index
    %get3A_267 = arith.constant 0 : index
    %get3A_268 = vector.load %arg6[%get3A_266, %get3A_267] : memref<64x192xf32, #tpu.memory_space<vmem>>, vector<64x192xf32>
    %dot_general3A_269 = arith.constant dense<0.000000e+00> : vector<1x192xf32>
    %dot_general3A_270 = tpu.matmul %add3A_264, %get3A_268, %dot_general3A_269 {dimension_numbers = #tpu.dot_dimension_numbers<[1], [0], [0], [1], [0, 0, 1, 1], [], []>, transpose_lhs_hint = false} : vector<1x64xf32>, vector<64x192xf32>, vector<1x192xf32> -> vector<1x192xf32>
    %get3A_271 = arith.constant 0 : index
    %get3A_272 = arith.constant 0 : index
    %get3A_273 = vector.load %arg8[%get3A_271, %get3A_272] : memref<1x192xf32, #tpu.memory_space<vmem>>, vector<1x192xf32>
    %add3A_274 = arith.addf %dot_general3A_270, %get3A_273 : vector<1x192xf32>
    %slice3A_275 = vector.extract_strided_slice %slice3A_265 {offsets = [0, 0], sizes = [1, 64], strides = [1, 1]} : vector<1x192xf32> to vector<1x64xf32>
    %slice3A_276 = vector.extract_strided_slice %add3A_274 {offsets = [0, 0], sizes = [1, 64], strides = [1, 1]} : vector<1x192xf32> to vector<1x64xf32>
    %add3A_277 = arith.addf %slice3A_275, %slice3A_276 : vector<1x64xf32>
    %logistic3A_278 = arith.negf %add3A_277 : vector<1x64xf32>
    %logistic3A_279 = math.exp %logistic3A_278 : vector<1x64xf32>
    %logistic3A_280 = arith.constant 1.000000e+00 : f32
    %logistic3A_281 = vector.broadcast %logistic3A_280 : f32 to vector<1x64xf32>
    %logistic3A_282 = arith.addf %logistic3A_281, %logistic3A_279 : vector<1x64xf32>
    %logistic3A_283 = arith.divf %logistic3A_281, %logistic3A_282 : vector<1x64xf32>
    %slice3A_284 = vector.extract_strided_slice %slice3A_265 {offsets = [0, 64], sizes = [1, 64], strides = [1, 1]} : vector<1x192xf32> to vector<1x64xf32>
    %slice3A_285 = vector.extract_strided_slice %add3A_274 {offsets = [0, 64], sizes = [1, 64], strides = [1, 1]} : vector<1x192xf32> to vector<1x64xf32>
    %add3A_286 = arith.addf %slice3A_284, %slice3A_285 : vector<1x64xf32>
    %logistic3A_287 = arith.negf %add3A_286 : vector<1x64xf32>
    %logistic3A_288 = math.exp %logistic3A_287 : vector<1x64xf32>
    %logistic3A_289 = arith.constant 1.000000e+00 : f32
    %logistic3A_290 = vector.broadcast %logistic3A_289 : f32 to vector<1x64xf32>
    %logistic3A_291 = arith.addf %logistic3A_290, %logistic3A_288 : vector<1x64xf32>
    %logistic3A_292 = arith.divf %logistic3A_290, %logistic3A_291 : vector<1x64xf32>
    %slice3A_293 = vector.extract_strided_slice %slice3A_265 {offsets = [0, 128], sizes = [1, 64], strides = [1, 1]} : vector<1x192xf32> to vector<1x64xf32>
    %slice3A_294 = vector.extract_strided_slice %add3A_274 {offsets = [0, 128], sizes = [1, 64], strides = [1, 1]} : vector<1x192xf32> to vector<1x64xf32>
    %mul3A_295 = arith.mulf %logistic3A_283, %slice3A_294 : vector<1x64xf32>
    %add3A_296 = arith.addf %slice3A_293, %mul3A_295 : vector<1x64xf32>
    %tanh3A_297 = math.tanh %add3A_296 : vector<1x64xf32>
    %sub3A_298 = arith.constant 1.000000e+00 : f32
    %sub3A_299 = vector.broadcast %sub3A_298 : f32 to vector<1x64xf32>
    %sub3A_300 = arith.subf %sub3A_299, %logistic3A_292 : vector<1x64xf32>
    %mul3A_301 = arith.mulf %sub3A_300, %tanh3A_297 : vector<1x64xf32>
    %mul3A_302 = arith.mulf %logistic3A_292, %add3A_264 : vector<1x64xf32>
    %add3A_303 = arith.addf %mul3A_301, %mul3A_302 : vector<1x64xf32>
    %slice3A_304 = vector.extract_strided_slice %add3A_33 {offsets = [7, 0], sizes = [1, 192], strides = [1, 1]} : vector<8x192xf32> to vector<1x192xf32>
    %get3A_305 = arith.constant 0 : index
    %get3A_306 = arith.constant 0 : index
    %get3A_307 = vector.load %arg6[%get3A_305, %get3A_306] : memref<64x192xf32, #tpu.memory_space<vmem>>, vector<64x192xf32>
    %dot_general3A_308 = arith.constant dense<0.000000e+00> : vector<1x192xf32>
    %dot_general3A_309 = tpu.matmul %add3A_303, %get3A_307, %dot_general3A_308 {dimension_numbers = #tpu.dot_dimension_numbers<[1], [0], [0], [1], [0, 0, 1, 1], [], []>, transpose_lhs_hint = false} : vector<1x64xf32>, vector<64x192xf32>, vector<1x192xf32> -> vector<1x192xf32>
    %get3A_310 = arith.constant 0 : index
    %get3A_311 = arith.constant 0 : index
    %get3A_312 = vector.load %arg8[%get3A_310, %get3A_311] : memref<1x192xf32, #tpu.memory_space<vmem>>, vector<1x192xf32>
    %add3A_313 = arith.addf %dot_general3A_309, %get3A_312 : vector<1x192xf32>
    %slice3A_314 = vector.extract_strided_slice %slice3A_304 {offsets = [0, 0], sizes = [1, 64], strides = [1, 1]} : vector<1x192xf32> to vector<1x64xf32>
    %slice3A_315 = vector.extract_strided_slice %add3A_313 {offsets = [0, 0], sizes = [1, 64], strides = [1, 1]} : vector<1x192xf32> to vector<1x64xf32>
    %add3A_316 = arith.addf %slice3A_314, %slice3A_315 : vector<1x64xf32>
    %logistic3A_317 = arith.negf %add3A_316 : vector<1x64xf32>
    %logistic3A_318 = math.exp %logistic3A_317 : vector<1x64xf32>
    %logistic3A_319 = arith.constant 1.000000e+00 : f32
    %logistic3A_320 = vector.broadcast %logistic3A_319 : f32 to vector<1x64xf32>
    %logistic3A_321 = arith.addf %logistic3A_320, %logistic3A_318 : vector<1x64xf32>
    %logistic3A_322 = arith.divf %logistic3A_320, %logistic3A_321 : vector<1x64xf32>
    %slice3A_323 = vector.extract_strided_slice %slice3A_304 {offsets = [0, 64], sizes = [1, 64], strides = [1, 1]} : vector<1x192xf32> to vector<1x64xf32>
    %slice3A_324 = vector.extract_strided_slice %add3A_313 {offsets = [0, 64], sizes = [1, 64], strides = [1, 1]} : vector<1x192xf32> to vector<1x64xf32>
    %add3A_325 = arith.addf %slice3A_323, %slice3A_324 : vector<1x64xf32>
    %logistic3A_326 = arith.negf %add3A_325 : vector<1x64xf32>
    %logistic3A_327 = math.exp %logistic3A_326 : vector<1x64xf32>
    %logistic3A_328 = arith.constant 1.000000e+00 : f32
    %logistic3A_329 = vector.broadcast %logistic3A_328 : f32 to vector<1x64xf32>
    %logistic3A_330 = arith.addf %logistic3A_329, %logistic3A_327 : vector<1x64xf32>
    %logistic3A_331 = arith.divf %logistic3A_329, %logistic3A_330 : vector<1x64xf32>
    %slice3A_332 = vector.extract_strided_slice %slice3A_304 {offsets = [0, 128], sizes = [1, 64], strides = [1, 1]} : vector<1x192xf32> to vector<1x64xf32>
    %slice3A_333 = vector.extract_strided_slice %add3A_313 {offsets = [0, 128], sizes = [1, 64], strides = [1, 1]} : vector<1x192xf32> to vector<1x64xf32>
    %mul3A_334 = arith.mulf %logistic3A_322, %slice3A_333 : vector<1x64xf32>
    %add3A_335 = arith.addf %slice3A_332, %mul3A_334 : vector<1x64xf32>
    %tanh3A_336 = math.tanh %add3A_335 : vector<1x64xf32>
    %sub3A_337 = arith.constant 1.000000e+00 : f32
    %sub3A_338 = vector.broadcast %sub3A_337 : f32 to vector<1x64xf32>
    %sub3A_339 = arith.subf %sub3A_338, %logistic3A_331 : vector<1x64xf32>
    %mul3A_340 = arith.mulf %sub3A_339, %tanh3A_336 : vector<1x64xf32>
    %mul3A_341 = arith.mulf %logistic3A_331, %add3A_303 : vector<1x64xf32>
    %add3A_342 = arith.addf %mul3A_340, %mul3A_341 : vector<1x64xf32>
    %get3A_343 = arith.constant 0 : index
    %get3A_344 = arith.constant 0 : index
    %get3A_345 = vector.load %arg9[%get3A_343, %get3A_344] : memref<64x32xf32, #tpu.memory_space<vmem>>, vector<64x32xf32>
    %dot_general3A_346 = arith.constant dense<0.000000e+00> : vector<1x32xf32>
    %dot_general3A_347 = tpu.matmul %add3A_342, %get3A_345, %dot_general3A_346 {dimension_numbers = #tpu.dot_dimension_numbers<[1], [0], [0], [1], [0, 0, 1, 1], [], []>, transpose_lhs_hint = false} : vector<1x64xf32>, vector<64x32xf32>, vector<1x32xf32> -> vector<1x32xf32>
    %get3A_348 = arith.constant 0 : index
    %get3A_349 = arith.constant 0 : index
    %get3A_350 = vector.load %arg10[%get3A_348, %get3A_349] : memref<1x32xf32, #tpu.memory_space<vmem>>, vector<1x32xf32>
    %add3A_351 = arith.addf %dot_general3A_347, %get3A_350 : vector<1x32xf32>
    %max3A = arith.constant 0.000000e+00 : f32
    %max3A_352 = vector.broadcast %max3A : f32 to vector<1x32xf32>
    %max3A_353 = arith.maximumf %add3A_351, %max3A_352 : vector<1x32xf32>
    %get3A_354 = arith.constant 0 : index
    %get3A_355 = arith.constant 0 : index
    %get3A_356 = vector.load %arg11[%get3A_354, %get3A_355] : memref<32x8xf32, #tpu.memory_space<vmem>>, vector<32x8xf32>
    %dot_general3A_357 = arith.constant dense<0.000000e+00> : vector<1x8xf32>
    %dot_general3A_358 = tpu.matmul %max3A_353, %get3A_356, %dot_general3A_357 {dimension_numbers = #tpu.dot_dimension_numbers<[1], [0], [0], [1], [0, 0, 1, 1], [], []>, transpose_lhs_hint = false} : vector<1x32xf32>, vector<32x8xf32>, vector<1x8xf32> -> vector<1x8xf32>
    %get3A_359 = arith.constant 0 : index
    %get3A_360 = arith.constant 0 : index
    %get3A_361 = vector.load %arg12[%get3A_359, %get3A_360] : memref<1x8xf32, #tpu.memory_space<vmem>>, vector<1x8xf32>
    %add3A_362 = arith.addf %dot_general3A_358, %get3A_361 : vector<1x8xf32>
    %swap3A = arith.constant 0 : index
    %swap3A_363 = arith.constant 0 : index
    %swap3A_364 = vector.load %arg13[%swap3A, %swap3A_363] : memref<1x8xf32, #tpu.memory_space<vmem>>, vector<1x8xf32>
    tpu.vector_store %arg13[%swap3A, %swap3A_363], %add3A_362 {strides = array<i32>} : memref<1x8xf32, #tpu.memory_space<vmem>>, vector<1x8xf32>,
    return
  }
}

</mosaic_0001>

<sc_bundles>
// kernel: kernel.10.cloned.1.call-start
scs
__scs_entry_jumppad:
0x0: {  	(pc) =	sbr.rel $0x88, $3  }
0x1: {  	(tag) =	ssettag $0x0;
	lr =	simm.s32 $0x1  }
0x2: {  	[smem:$0x3F91] =	sst lr;
	_ =	strace $0xD0000000  }
0x3: {  	_ = 	snop  }
0x4: {  	_ = 	snop  }
0x5: {  	_ = 	snop  }
0x6: {  	_ = 	snop  }
0x7: {  	_ = 	snop  }
__scs_overlays_trampoline_lowered:
0x8: {  	[smem:$0x3FA0] =	sst s0  }
0x9: {  	[smem:$0x3FA1] =	sst s1  }
0xa: {  	[smem:$0x3FA2] =	sst s2  }
0xb: {  	[smem:$0x3FA3] =	sst s3  }
0xc: {  	[smem:$0x3FA4] =	sst s4  }
0xd: {  	[smem:$0x3FA5] =	sst s5  }
0xe: {  	[smem:$0x3FA6] =	sst s6  }
0xf: {  	[smem:$0x3FA7] =	sst s7  }
0x10: {  	[smem:$0x3FA8] =	sst s8  }
0x11: {  	[smem:$0x3FA9] =	sst s9;
	s0 =	simm.s32 @!p0 $0x0  }
0x12: {  	s1 =	sld [smem:$0x3F8F];
	s0 =	simm.s32 @p0 $0x1  }
0x13: {  	[smem:$0x3FAA] =	sst s0;
	s0 =	simm.s32 @!p1 $0x0  }
0x14: {  	s2 =	sld [smem:$0x3F8E];
	s0 =	simm.s32 @p1 $0x1  }
0x15: {  	[smem:$0x3FAB] =	sst s0;
	s0 =	simm.s32 @!p2 $0x0  }
0x16: {  	s3 =	sld [smem:$0x3FDB];
	s0 =	simm.s32 @p2 $0x1  }
0x17: {  	s4 =	simm.s32 $0x1BF5;
	[smem:$0x3FAD] =	sst s0  }
0x18: {  	s0 =	sld [smem:$0x3F90];
	_ =	swait.ge [sflag:s4], $0x0  }
0x19: {  	s7 =	sld [smem:$0x3F91]  }
0x1a: {  	s8 =	sadd.s32 $0xFFFFE003, lr  }
0x1b: {  	s9 =	sadd.s32 $0xFFFFFEF7, lr;
	s5 =	simm.s32 $0xFFFFFFFF;
	p2 =	slt.u32 s8, $0xFFFFF086  }
0x1c: {  	p1 =	slt.u32 s9, $0xF7A;
	s5 =	simm.s32 @!p2 $0x0  }
0x1d: {  	s5 =	simm.s32 @p1 $0x1;
	p0 =	seq.s32 s7, s2  }
0x1e: {  	s7 =	smul.u32 @!p0 $0xF7A, s2;
	p2 =	seq.s32 @!p0 s5, $0x0  }
0x1f: {  	s9 =	smul.u32 $0xF7A, s1;
	s8 =	simm.s32 @!p0 $0x1BF5;
	p2 =	por !p2, p0  }
0x20: {  	[sflag:s8] =	ssyncset.s32 @!p0 $0xFFFFF086;
	s6 =	sadd.s32 @!p0 s3, s7;
	s7 =	simm.s32 @!p0 $0x108  }
0x21: {  	s3 =	sadd.s32 s3, s9;
	s6 =	sadd.s32 @!p0 $0x88, s6;
	s7 =	simm.s32 @p2 $0x1082  }
0x22: {  	[simem:s7], [sflag:s8] =	dma.local @!p0 [hbm:s6], $0xF7A  }
0x23: {  	s9 =	sor.u32 $0xD0000000, s2;
	s6 =	simm.s32 $0x108;
	_ =	swait.ge @!p0 [sflag:s8], $0x0  }
0x24: {  	s3 =	sadd.s32 $0x88, s3;
	s6 =	simm.s32 @!p1 $0x1082;
	[sflag:s4] =	ssyncset.s32 $0xFFFFF086  }
0x25: {  	[simem:s6], [sflag:s4] =	dma.local [hbm:s3], $0xF7A  }
0x26: {  	[smem:$0x3F91] =	sst s1;
	(tag) =	ssettag s2;
	_ =	strace s9  }
0x27: {  	s1 =	sld [smem:$0x3FA1]  }
0x28: {  	s2 =	sld [smem:$0x3FA2]  }
0x29: {  	s4 =	sld [smem:$0x3FA4]  }
0x2a: {  	p0 =	seq.s32 s5, $0x0;
	s5 =	sld [smem:$0x3FA5]  }
0x2b: {  	s6 =	sld [smem:$0x3FA6]  }
0x2c: {  	s7 =	sld [smem:$0x3FA7]  }
0x2d: {  	s3 =	simm.s32 $0x108;
	s8 =	sld [smem:$0x3FA8]  }
0x2e: {  	s3 =	simm.s32 @!p0 $0x1082;
	s9 =	sld [smem:$0x3FA9]  }
0x2f: {  	lr =	sadd.s32 s0, s3;
	s0 =	sld [smem:$0x3FA0]  }
0x30: {  	s3 =	sld [smem:$0x3FA3]  }
0x31: {  	[smem:$0x3FAC] =	sst s10  }
0x32: {  	s10 =	sld [smem:$0x3FAA];
	_ =	sdelay $0x3  }
0x33: {  	p0 =	seq.s32 s10, $0x1;
	s10 =	sld [smem:$0x3FAC];
	_ =	sdelay $0x3  }
0x34: {  	[smem:$0x3FAC] =	sst s10  }
0x35: {  	s10 =	sld [smem:$0x3FAB];
	_ =	sdelay $0x3  }
0x36: {  	p1 =	seq.s32 s10, $0x1;
	s10 =	sld [smem:$0x3FAC];
	_ =	sdelay $0x3  }
0x37: {  	[smem:$0x3FAC] =	sst s10  }
0x38: {  	s10 =	sld [smem:$0x3FAD]  }
0x39: {  	_ = 	snop;
	(pc) =	sbr.ind lr, $3  }
0x3a: {  	_ = 	snop  }
0x3b: {  	_ = 	snop  }
0x3c: {  	p2 =	seq.s32 s10, $0x1;
	s10 =	sld [smem:$0x3FAC]  }
0x3d: {  	_ =	shalt  }
0x3e: {  	_ =	shalt  }
0x3f: {  	_ =	shalt  }
0x40: {  	_ =	shalt  }
0x41: {  	_ =	shalt  }
0x42: {  	_ =	shalt  }
0x43: {  	_ =	shalt  }
0x44: {  	_ =	shalt  }
0x45: {  	_ =	shalt  }
0x46: {  	_ =	shalt  }
0x47: {  	_ =	shalt  }
0x48: {  	_ =	shalt  }
0x49: {  	_ =	shalt  }
0x4a: {  	_ =	shalt  }
0x4b: {  	_ =	shalt  }
0x4c: {  	_ =	shalt  }
0x4d: {  	_ =	shalt  }
0x4e: {  	_ =	shalt  }
0x4f: {  	_ =	shalt  }
0x50: {  	_ =	shalt  }
0x51: {  	_ =	shalt  }
0x52: {  	_ =	shalt  }
0x53: {  	_ =	shalt  }
0x54: {  	_ =	shalt  }
0x55: {  	_ =	shalt  }
0x56: {  	_ =	shalt  }
0x57: {  	_ =	shalt  }
0x58: {  	_ =	shalt  }
0x59: {  	_ =	shalt  }
0x5a: {  	_ =	shalt  }
0x5b: {  	_ =	shalt  }
0x5c: {  	_ =	shalt  }
0x5d: {  	_ =	shalt  }
0x5e: {  	_ =	shalt  }
0x5f: {  	_ =	shalt  }
0x60: {  	_ =	shalt  }
0x61: {  	_ =	shalt  }
0x62: {  	_ =	shalt  }
0x63: {  	_ =	shalt  }
0x64: {  	_ =	shalt  }
0x65: {  	_ =	shalt  }
0x66: {  	_ =	shalt  }
0x67: {  	_ =	shalt  }
0x68: {  	_ =	shalt  }
0x69: {  	_ =	shalt  }
0x6a: {  	_ =	shalt  }
0x6b: {  	_ =	shalt  }
0x6c: {  	_ =	shalt  }
0x6d: {  	_ =	shalt  }
0x6e: {  	_ =	shalt  }
0x6f: {  	_ =	shalt  }
0x70: {  	_ =	shalt  }
0x71: {  	_ =	shalt  }
0x72: {  	_ =	shalt  }
0x73: {  	_ =	shalt  }
0x74: {  	_ =	shalt  }
0x75: {  	_ =	shalt  }
0x76: {  	_ =	shalt  }
0x77: {  	_ =	shalt  }
0x78: {  	_ =	shalt  }
0x79: {  	_ =	shalt  }
0x7a: {  	_ =	shalt  }
0x7b: {  	_ =	shalt  }
0x7c: {  	_ =	shalt  }
0x7d: {  	_ =	shalt  }
0x7e: {  	_ =	shalt  }
0x7f: {  	_ =	shalt  }
0x80: {  	_ =	shalt  }
0x81: {  	_ =	shalt  }
0x82: {  	_ =	shalt  }
0x83: {  	_ =	shalt  }
0x84: {  	_ =	shalt  }
0x85: {  	_ =	shalt  }
0x86: {  	_ =	shalt  }
0x87: {  	_ =	shalt  }
.Lfunc_end0:
.L_simem_size_0:
called_computation.1_lowered:
.L_overlay_start_0:
0x88: {  	s2 =	sld [smem:$0x3FD9]  }
0x89: {  	s3 =	sld [smem:$0x3FFE];
	_ =	sdelay $0x1  }
0x8a: {  	s1 =	srdreg.scid  }
0x8b: {  	s0 =	sand.u32 $0x1, s1  }
0x8c: {  	s16 =	sshll.u32 s0, $0xA;
	s2 =	sadd.s32 s3, s2  }
0x8d: {  	s2 =	sadd.s32 s2, s16  }
0x8e: {  	[smem:$0x3FB8] =	sst s2  }
0x8f: {  	_ = 	snop  }
0x90: {  	(tm) =	ssettm $0x1  }
0x91: {  	s17 =	sld [smem:$0x3FFB];
	_ =	sdelay $0x3  }
0x92: {  	_ =	strace s17  }
0x93: {  	s2 =	sld [smem:$0x3FFC];
	_ =	sdelay $0x3  }
0x94: {  	_ =	strace s2  }
0x95: {  	s2 =	sld [smem:$0x3FFD];
	_ =	sdelay $0x3  }
0x96: {  	_ =	strace s2  }
0x97: {  	_ =	strace $0x8FFFFFFF  }
0x98: {  	s18 =	sld [smem:$0x3FDB];
	_ =	sdelay $0x1  }
0x99: {  	s19 =	simm.s32 $_scs_section_size  }
0x9a: {  	s4 =	simm.s32 $_size__tile_overlayer_lowered;
	s5 =	simm.s32 $_tile_overlayer_lowered  }
0x9b: {  	s22 =	simm.s32 $0x1BFF;
	s21 =	sshll.u32 s5, $0x1;
	s2 =	sadd.s32 s19, s18  }
0x9c: {  	s6 =	simm.s32 $0x0;
	s20 =	sshll.u32 s4, $0x1;
	s4 =	sadd.s32 s21, s2  }
0x9d: {  	[timem:s6], [sflag:s22] =	dma.local [hbm:s4], s20  }
0x9e: {  	_ =	swait.ge [sflag:s22], s20  }
0x9f: {  	s3 =	ssub.s32 $0x0, s20;
	[sflag:s22] =	ssyncset.done $0x0  }
0xa0: {  	[sflag:s22] =	ssyncadd.s32 s3;
	_ =	sdelay $0x1  }
0xa1: {  	s23 =	simm.s32 $0x1B8B  }
0xa2: {  	_ =	swait.ge [sflag:s23], $0x1  }
0xa3: {  	[sflag:s23] =	ssyncset.done $0x0  }
0xa4: {  	s25 =	simm.s32 $0x1B8E;
	s24 =	sld [smem:$0x3FFE];
	[sflag:s23] =	ssyncadd.s32 $0xFFFFFFFF  }
0xa5: {  	s26 =	simm.s32 $execute0_lowered;
	[smem:$0x3FD2] =	sst s25  }
0xa6: {  	s4 =	sshll.u32 s26, $0x1;
	_ =	strace $0x80000049;
	[dreg:$0x1] =	wrdreg $0xFFFFFFFF  }
0xa7: {  	s28 =	simm.s32 $_size_execute0_lowered;
	s2 =	sadd.s32 s2, s4;
	[dreg:$0x0] =	wrdreg $0x0  }
0xa8: {  	s4 =	sshll.u32 s28, $0x1;
	[dreg:$0x2] =	wrdreg s2  }
0xa9: {  	[dreg:$0x3] =	wrdreg s4  }
0xaa: {  	[dreg:$0x4] =	wrdreg $0xC0  }
0xab: {  	_ =	task [dreg:s6], $0x5FFFF  }
0xac: {  	[dreg:$0x1] =	wrdreg $0xFFFFFFFF  }
0xad: {  	[dreg:$0x0] =	wrdreg $0x60  }
0xae: {  	[dreg:$0x2] =	wrdreg s24  }
0xaf: {  	[dreg:$0x3] =	wrdreg $0x55000  }
0xb0: {  	[dreg:$0x4] =	wrdreg $0x61800  }
0xb1: {  	[dreg:$0x5] =	wrdreg $0x9  }
0xb2: {  	_ =	task.clear_ibuf [dreg:s6], $0x6FFFF;
	_ =	strace $0x90000049  }
0xb3: {  	s29 =	simm.s32 $0x9;
	_ =	strace $0x8000004B  }
0xb4: {  	_ =	swait.ge [sflag:s29], $0x1  }
0xb5: {  	[sflag:s29] =	ssyncadd.s32 $0xFFFFFFFF  }
0xb6: {  	_ =	strace $0x9000004B  }
0xb7: {  	_ =	sfence  }
0xb8: {  	s30 =	sld [smem:$0x0];
	_ =	sdelay $0x2  }
0xb9: {  	s31 =	sshll.u32 s1, $0xD;
	s1 =	sshrl.u32 s1, $0x2  }
0xba: {  	s3 =	sand.u32 $0x4000, s31;
	s1 =	sadd.s32 s1, s30  }
0xbb: {  	s0 =	sor.u32 s3, s0;
	s1 =	sshll.u32 s1, $0x11  }
0xbc: {  	s0 =	sor.u32 s1, s0  }
0xbd: {  	s0 =	sadd.s32 $0x8F2B, s0  }
0xbe: {  	[sflag:s0] =	ssyncadd.remote.s32 $0x1  }
0xbf: {  	_ =	sfence.sel $0xFFFF  }
0xc0: {  	[dreg:$0x0] =	wrdreg $0xFFFFFFFF;
	(pc) =	sbr.abs _section_cstart, $3  }
0xc1: {  	[dreg:$0x1] =	wrdreg $0xFFFFFFFF  }
0xc2: {  	_ =	task.clear_ibuf [dreg:s6], $0x2FFFF;
	_ =	strace $0x9FFFFFFF  }
0xc3: {  	(tm) =	ssettm $0x7FFFFFFF  }
tec
execute0_lowered:
.L_overlay_start_1:
0x0: {  	(tag) =	ssettag $0x1  }
0x1: {  	s0 =	rddreg [dreg:$0x0]  }
0x2: {  	s1 =	rddreg [dreg:$0x1]  }
0x3: {  	s2 =	rddreg [dreg:$0x2]  }
0x4: {  	s4 =	simm.s32 $0x0;
	s3 =	srdreg.scid;
	s6 =	stileid.u32  }
0x5: {  	s28 =	simm.s32 $0x3200;
	s29 =	simm.s32 $0x1;
	s30 =	simm.s32 $0x2  }
0x6: {  	[smem:$0x7FF] =	sst s4;
	s3 =	sand.u32 $0x1, s3;
	s7 =	sadd.s32 $0x25BA00, s0  }
0x7: {  	s5 =	sshll.u32 s6, $0x1;
	s8 =	smul.u32 $0xC80, s6;
	s9 =	sadd.s32 $0x193A00, s0  }
0x8: {  	s14 =	smul.u32 $0xC800, s6;
	_ =	strace $0x8000004A;
	[dreg:$0x4] =	wrdreg s7  }
0x9: {  	s5 =	sor.u32 s3, s5;
	s7 =	sadd.s32 $0x323A00, s0;
	s15 =	smul.u32 $0x6400, s3  }
0xa: {  	s18 =	ssub.s32 $0x2, s3;
	s0 =	sadd.s32 $0x268200, s0;
	s3 =	smul.u32 $0xC800, s3  }
0xb: {  	s10 =	smul.u32 $0x6400, s5;
	[dreg:$0x5] =	wrdreg s0;
	s19 =	sshrl.u32 s18, $0x1  }
0xc: {  	s20 =	sadd.s32 s8, s1;
	s12 =	sadd.s32 s8, s2;
	s0 =	ssub.s32 s18, s19  }
0xd: {  	[dreg:$0x6] =	wrdreg s20;
	s21 =	sadd.s32 s15, s14;
	s14 =	sadd.s32 s3, s8  }
0xe: {  	s20 =	simm.s32 $0x3C00;
	s3 =	simm.s32 $0x0;
	s11 =	smov.u32 s10  }
0xf: {  	s13 =	sadd.s32 $0xA00, s10;
	s10 =	smov.u32 s8;
	s22 =	sadd.s32 $0x1400, s21  }
0x10: {  	s5 =	sadd.s32 $0xA00, s21;
	s0 =	smax.u32 s0, $0x1;
	s23 =	sshrl.u32 s22, $0x3  }
0x11: {  	s21 =	simm.s32 $0x3;
	[dreg:$0x7] =	wrdreg s0;
	s25 =	sadd.s32 s23, s9  }
0x12: {  	s24 =	sshrl.u32 s5, $0x3;
	s0 =	sadd.s32 s23, s7;
	[dreg:$0x8] =	wrdreg s25  }
0x13: {  	s26 =	sadd.s32 s24, s9;
	s31 =	sadd.s32 s24, s7;
	[dreg:$0x9] =	wrdreg s0  }
0x14: {  	s23 =	simm.s32 $0xA00;
	s24 =	simm.s32 $0x1400;
	[dreg:$0xa] =	wrdreg s26  }
0x15: {  	v0 =	vimm.f32 $0.0e+00;
	[dreg:$0xb] =	wrdreg s31;
	s25 =	simm.s32 $0x1E00;
	s26 =	simm.s32 $0x2800  }
.LBB2_1:
0x16: {  	[dreg:$0xc] =	wrdreg s3;
	s0 =	simm.s32 $0x40;
	s3 =	simm.s32 $0x0  }
.LBB2_2:
0x17: {  	p0 =	sne.s32 s0, $0x31C0;
	[tilespmem:s3+$0x4880] =	vst v0;
	s3 =	smov.u32 s0;
	s0 =	sadd.s32 $0x40, s0  }
.Ltmp0:
0x18: {  	(pc) =	sbr.rel @p0 .LBB2_2-.Ltmp0, $2  }
0x19: {  	_ =	sdelay $0x2  }
0x1a: {  	s3 =	sshra.s32 s3, $0x2  }
0x1b: {  	s19 =	rddreg [dreg:$0xb]  }
0x1c: {  	s18 =	rddreg [dreg:$0xa]  }
0x1d: {  	s17 =	rddreg [dreg:$0x9]  }
0x1e: {  	[tilespmem:s3+$0x4880] =	vst v0;
	s0 =	simm.s32 $0x0;
	s16 =	rddreg [dreg:$0x8];
	s15 =	simm.s32 $0x0  }
.LBB2_4:
0x1f: {  	s3 =	smul.u32 $0xC800, s15;
	_ =	sdelay $0x1  }
0x20: {  	s3 =	sadd.s32 s10, s3  }
0x21: {  	s5 =	rddreg [dreg:$0x4];
	s3 =	sshrl.u32 s3, $0x3  }
0x22: {  	s3 =	sadd.s32 s5, s3  }
0x23: {  	[tilespmem:s20], [sflag:$0x3] =	stream.linear.gather [hbm4b:s3+s0], $0xC80, $0x38;
	[tilespmem:$0x6E00] =	vst v63  }
0x24: {  	_ =	swait.ge [sflag:s21], $0xC80  }
0x25: {  	[sflag:s21] =	ssyncset.done $0x0  }
0x26: {  	s5 =	rddreg [dreg:$0x6];
	[sflag:s21] =	ssyncadd.s32 $0xFFFFF380  }
0x27: {  	[spmem:s5] =	stream.linear.scatter [tilespmem:s20], [sflag:$0x3], $0xC80, $0x38;
	[tilespmem:$0x6E00] =	vst v63  }
0x28: {  	_ =	swait.ge [sflag:s21], $0xC80  }
0x29: {  	[sflag:s21] =	ssyncset.done $0x0  }
0x2a: {  	s6 =	simm.s32 $0x4880;
	s3 =	smul.u32 $0xC8000, s15;
	[sflag:s21] =	ssyncadd.s32 $0xFFFFF380  }
0x2b: {  	[spmem:s12] =	stream.linear.scatter [tilespmem:s6], [sflag:$0x3], $0xC80, $0x38;
	[tilespmem:$0x6E00] =	vst v63  }
0x2c: {  	_ =	swait.ge [sflag:s21], $0xC80  }
0x2d: {  	s8 =	sadd.s32 s11, s3;
	[sflag:s21] =	ssyncset.done $0x0  }
0x2e: {  	s5 =	sshrl.u32 s8, $0x3;
	[sflag:s21] =	ssyncadd.s32 $0xFFFFF380  }
0x2f: {  	s22 =	sadd.s32 s7, s5;
	[bflag:$0x0] =	sbarrier.arrive $0xFFFF  }
0x30: {  	[tilespmem:s0], [sflag:$0x3] =	stream.linear.gather [hbm4b:s22+s0], $0xA00, $0x38;
	[tilespmem:$0x6E00] =	vst v63  }
0x31: {  	_ =	swait.ge [sflag:s21], $0xA00  }
0x32: {  	[sflag:s21] =	ssyncset.done $0x0  }
0x33: {  	s5 =	sadd.s32 s9, s5;
	[sflag:s21] =	ssyncadd.s32 $0xFFFFF600  }
0x34: {  	[tilespmem:s23], [sflag:$0x3] =	stream.linear.gather [hbm4b:s5+s0], $0xA00, $0x38;
	[tilespmem:$0x6E00] =	vst v63  }
0x35: {  	_ =	swait.ge [sflag:s21], $0xA00  }
0x36: {  	[sflag:s21] =	ssyncset.done $0x0  }
0x37: {  	[sflag:s21] =	ssyncadd.s32 $0xFFFFF600  }
0x38: {  	[tilespmem:s24], [sflag:$0x1] =	stream.indirect.gather [spmem:s1], $0x1, s23, s23, $0xb8;
	[tilespmem:$0x6E00] =	vst v63  }
0x39: {  	s22 =	sadd.s32 $0x0, s19  }
0x3a: {  	[tilespmem:s25], [sflag:$0x3] =	stream.linear.gather [hbm4b:s22+s4], $0xA00, $0x38;
	[tilespmem:$0x6E00] =	vst v63  }
0x3b: {  	_ =	swait.ge [sflag:s21], $0xA00  }
0x3c: {  	[sflag:s21] =	ssyncset.done $0x0  }
0x3d: {  	s6 =	sadd.s32 $0x0, s18;
	[sflag:s21] =	ssyncadd.s32 $0xFFFFF600  }
0x3e: {  	[tilespmem:s26], [sflag:$0x3] =	stream.linear.gather [hbm4b:s6+s4], $0xA00, $0x38;
	[tilespmem:$0x6E00] =	vst v63  }
0x3f: {  	_ =	swait.ge [sflag:s21], $0xA00  }
0x40: {  	[sflag:s21] =	ssyncset.done $0x0  }
0x41: {  	[sflag:s21] =	ssyncadd.s32 $0xFFFFF600  }
0x42: {  	[tilespmem:s28], [sflag:$0x2] =	stream.indirect.gather [spmem:s1], $0x1, s26, s23, $0xb8;
	[tilespmem:$0x6E00] =	vst v63  }
0x43: {  	_ =	swait.ge [sflag:s29], $0xA00  }
0x44: {  	[sflag:s29] =	ssyncset.done $0x0  }
0x45: {  	[sflag:s29] =	ssyncadd.s32 $0xFFFFF600  }
0x46: {  	[spmem:s2] =	stream.indirect.scatter.add.f32 [tilespmem:s24], [sflag:$0x3], $0x1, s4, s23, $0xb8;
	[tilespmem:$0x6E00] =	vst v63  }
0x47: {  	_ =	swait.ge [sflag:s21], $0xA00  }
0x48: {  	[sflag:s21] =	ssyncset.done $0x0  }
0x49: {  	s8 =	sadd.s32 $0x0, s17;
	[sflag:s21] =	ssyncadd.s32 $0xFFFFF600  }
0x4a: {  	[tilespmem:s4], [sflag:$0x3] =	stream.linear.gather [hbm4b:s8+s4], $0xA00, $0x38;
	[tilespmem:$0x6E00] =	vst v63  }
0x4b: {  	_ =	swait.ge [sflag:s21], $0xA00  }
0x4c: {  	[sflag:s21] =	ssyncset.done $0x0  }
0x4d: {  	s22 =	sadd.s32 $0x0, s16;
	[sflag:s21] =	ssyncadd.s32 $0xFFFFF600  }
0x4e: {  	[tilespmem:s23], [sflag:$0x3] =	stream.linear.gather [hbm4b:s22+s4], $0xA00, $0x38;
	[tilespmem:$0x6E00] =	vst v63  }
0x4f: {  	_ =	swait.ge [sflag:s21], $0xA00  }
0x50: {  	[sflag:s21] =	ssyncset.done $0x0  }
0x51: {  	[sflag:s21] =	ssyncadd.s32 $0xFFFFF600  }
0x52: {  	[tilespmem:s24], [sflag:$0x1] =	stream.indirect.gather [spmem:s1], $0x1, s23, s23, $0xb8;
	[tilespmem:$0x6E00] =	vst v63  }
0x53: {  	_ =	swait.ge [sflag:s30], $0xA00  }
0x54: {  	[sflag:s30] =	ssyncset.done $0x0  }
0x55: {  	[sflag:s30] =	ssyncadd.s32 $0xFFFFF600  }
0x56: {  	[spmem:s2] =	stream.indirect.scatter.add.f32 [tilespmem:s28], [sflag:$0x3], $0x1, s25, s23, $0xb8;
	[tilespmem:$0x6E00] =	vst v63  }
0x57: {  	s31 =	sadd.s32 s13, s3;
	_ =	swait.ge [sflag:s21], $0xA00  }
0x58: {  	s3 =	simm.s32 $0x280;
	s22 =	simm.s32 $0x500;
	[sflag:s21] =	ssyncset.done $0x0  }
.LBB2_5:
0x59: {  	s6 =	sadd.s32 s3, s19  }
0x5a: {  	[sflag:s21] =	ssyncadd.s32 $0xFFFFF600;
	s8 =	smov.u32 s22;
	s5 =	sadd.s32 $0x280, s22  }
0x5b: {  	[tilespmem:s25], [sflag:$0x3] =	stream.linear.gather [hbm4b:s6+s4], $0xA00, $0x38;
	[tilespmem:$0x6E00] =	vst v63  }
0x5c: {  	p0 =	sne.s32 s22, $0x780;
	_ =	swait.ge [sflag:s21], $0xA00  }
0x5d: {  	[sflag:s21] =	ssyncset.done $0x0  }
0x5e: {  	s6 =	sadd.s32 s3, s18;
	[sflag:s21] =	ssyncadd.s32 $0xFFFFF600  }
0x5f: {  	[tilespmem:s26], [sflag:$0x3] =	stream.linear.gather [hbm4b:s6+s4], $0xA00, $0x38;
	[tilespmem:$0x6E00] =	vst v63  }
0x60: {  	_ =	swait.ge [sflag:s21], $0xA00  }
0x61: {  	[sflag:s21] =	ssyncset.done $0x0  }
0x62: {  	[sflag:s21] =	ssyncadd.s32 $0xFFFFF600  }
0x63: {  	[tilespmem:s28], [sflag:$0x2] =	stream.indirect.gather [spmem:s1], $0x1, s26, s23, $0xb8;
	[tilespmem:$0x6E00] =	vst v63  }
0x64: {  	_ =	swait.ge [sflag:s29], $0xA00  }
0x65: {  	[sflag:s29] =	ssyncset.done $0x0  }
0x66: {  	[sflag:s29] =	ssyncadd.s32 $0xFFFFF600  }
0x67: {  	[spmem:s2] =	stream.indirect.scatter.add.f32 [tilespmem:s24], [sflag:$0x3], $0x1, s4, s23, $0xb8;
	[tilespmem:$0x6E00] =	vst v63  }
0x68: {  	_ =	swait.ge [sflag:s21], $0xA00  }
0x69: {  	[sflag:s21] =	ssyncset.done $0x0  }
0x6a: {  	s6 =	sadd.s32 s3, s17;
	[sflag:s21] =	ssyncadd.s32 $0xFFFFF600  }
0x6b: {  	[tilespmem:s4], [sflag:$0x3] =	stream.linear.gather [hbm4b:s6+s4], $0xA00, $0x38;
	[tilespmem:$0x6E00] =	vst v63  }
0x6c: {  	_ =	swait.ge [sflag:s21], $0xA00  }
0x6d: {  	[sflag:s21] =	ssyncset.done $0x0  }
0x6e: {  	s6 =	sadd.s32 s3, s16;
	s3 =	smov.u32 s8;
	[sflag:s21] =	ssyncadd.s32 $0xFFFFF600  }
0x6f: {  	[tilespmem:s23], [sflag:$0x3] =	stream.linear.gather [hbm4b:s6+s4], $0xA00, $0x38;
	[tilespmem:$0x6E00] =	vst v63  }
0x70: {  	_ =	swait.ge [sflag:s21], $0xA00  }
0x71: {  	[sflag:s21] =	ssyncset.done $0x0  }
0x72: {  	[sflag:s21] =	ssyncadd.s32 $0xFFFFF600  }
0x73: {  	[tilespmem:s24], [sflag:$0x1] =	stream.indirect.gather [spmem:s1], $0x1, s23, s23, $0xb8;
	[tilespmem:$0x6E00] =	vst v63  }
0x74: {  	_ =	swait.ge [sflag:s30], $0xA00  }
.Ltmp1:
0x75: {  	[sflag:s30] =	ssyncset.done $0x0;
	(pc) =	sbr.rel @p0 .LBB2_5-.Ltmp1, $4  }
0x76: {  	[sflag:s30] =	ssyncadd.s32 $0xFFFFF600  }
0x77: {  	[spmem:s2] =	stream.indirect.scatter.add.f32 [tilespmem:s28], [sflag:$0x3], $0x1, s25, s23, $0xb8;
	[tilespmem:$0x6E00] =	vst v63  }
0x78: {  	_ =	swait.ge [sflag:s21], $0xA00  }
0x79: {  	s22 =	smov.u32 s5;
	[sflag:s21] =	ssyncset.done $0x0  }
0x7a: {  	s5 =	sadd.s32 s3, s19;
	[sflag:s21] =	ssyncadd.s32 $0xFFFFF600  }
0x7b: {  	[tilespmem:s25], [sflag:$0x3] =	stream.linear.gather [hbm4b:s5+s4], $0xA00, $0x38;
	[tilespmem:$0x6E00] =	vst v63  }
0x7c: {  	_ =	swait.ge [sflag:s21], $0xA00  }
0x7d: {  	[sflag:s21] =	ssyncset.done $0x0  }
0x7e: {  	s6 =	sadd.s32 s3, s18;
	[sflag:s21] =	ssyncadd.s32 $0xFFFFF600  }
0x7f: {  	[tilespmem:s26], [sflag:$0x3] =	stream.linear.gather [hbm4b:s6+s4], $0xA00, $0x38;
	[tilespmem:$0x6E00] =	vst v63  }
0x80: {  	_ =	swait.ge [sflag:s21], $0xA00  }
0x81: {  	[sflag:s21] =	ssyncset.done $0x0  }
0x82: {  	[sflag:s21] =	ssyncadd.s32 $0xFFFFF600  }
0x83: {  	[tilespmem:s28], [sflag:$0x2] =	stream.indirect.gather [spmem:s1], $0x1, s26, s23, $0xb8;
	[tilespmem:$0x6E00] =	vst v63  }
0x84: {  	_ =	swait.ge [sflag:s29], $0xA00  }
0x85: {  	[sflag:s29] =	ssyncset.done $0x0  }
0x86: {  	[sflag:s29] =	ssyncadd.s32 $0xFFFFF600  }
0x87: {  	[spmem:s2] =	stream.indirect.scatter.add.f32 [tilespmem:s24], [sflag:$0x3], $0x1, s4, s23, $0xb8;
	[tilespmem:$0x6E00] =	vst v63  }
0x88: {  	_ =	swait.ge [sflag:s21], $0xA00  }
0x89: {  	[sflag:s21] =	ssyncset.done $0x0  }
0x8a: {  	s8 =	sadd.s32 s3, s17;
	[sflag:s21] =	ssyncadd.s32 $0xFFFFF600  }
0x8b: {  	[tilespmem:s4], [sflag:$0x3] =	stream.linear.gather [hbm4b:s8+s4], $0xA00, $0x38;
	[tilespmem:$0x6E00] =	vst v63  }
0x8c: {  	_ =	swait.ge [sflag:s21], $0xA00  }
0x8d: {  	[sflag:s21] =	ssyncset.done $0x0  }
0x8e: {  	s22 =	sadd.s32 s3, s16;
	[sflag:s21] =	ssyncadd.s32 $0xFFFFF600  }
0x8f: {  	[tilespmem:s23], [sflag:$0x3] =	stream.linear.gather [hbm4b:s22+s4], $0xA00, $0x38;
	[tilespmem:$0x6E00] =	vst v63  }
0x90: {  	_ =	swait.ge [sflag:s21], $0xA00  }
0x91: {  	[sflag:s21] =	ssyncset.done $0x0  }
0x92: {  	[sflag:s21] =	ssyncadd.s32 $0xFFFFF600  }
0x93: {  	[tilespmem:s24], [sflag:$0x1] =	stream.indirect.gather [spmem:s1], $0x1, s23, s23, $0xb8;
	[tilespmem:$0x6E00] =	vst v63  }
0x94: {  	_ =	swait.ge [sflag:s30], $0xA00  }
0x95: {  	[sflag:s30] =	ssyncset.done $0x0  }
0x96: {  	[sflag:s30] =	ssyncadd.s32 $0xFFFFF600  }
0x97: {  	[spmem:s2] =	stream.indirect.scatter.add.f32 [tilespmem:s28], [sflag:$0x3], $0x1, s25, s23, $0xb8;
	[tilespmem:$0x6E00] =	vst v63  }
0x98: {  	s5 =	sshrl.u32 s31, $0x3;
	_ =	swait.ge [sflag:s21], $0xA00  }
0x99: {  	s3 =	sadd.s32 $0xA00, s5;
	[sflag:s21] =	ssyncset.done $0x0  }
0x9a: {  	s6 =	sadd.s32 s7, s3;
	[sflag:s21] =	ssyncadd.s32 $0xFFFFF600  }
0x9b: {  	[tilespmem:s25], [sflag:$0x3] =	stream.linear.gather [hbm4b:s6+s4], $0xA00, $0x38;
	[tilespmem:$0x6E00] =	vst v63  }
0x9c: {  	_ =	swait.ge [sflag:s21], $0xA00  }
0x9d: {  	[sflag:s21] =	ssyncset.done $0x0  }
0x9e: {  	s3 =	sadd.s32 s9, s3;
	[sflag:s21] =	ssyncadd.s32 $0xFFFFF600  }
0x9f: {  	[tilespmem:s26], [sflag:$0x3] =	stream.linear.gather [hbm4b:s3+s4], $0xA00, $0x38;
	[tilespmem:$0x6E00] =	vst v63  }
0xa0: {  	_ =	swait.ge [sflag:s21], $0xA00  }
0xa1: {  	[sflag:s21] =	ssyncset.done $0x0  }
0xa2: {  	[sflag:s21] =	ssyncadd.s32 $0xFFFFF600  }
0xa3: {  	[tilespmem:s28], [sflag:$0x2] =	stream.indirect.gather [spmem:s1], $0x1, s26, s23, $0xb8;
	[tilespmem:$0x6E00] =	vst v63  }
0xa4: {  	_ =	swait.ge [sflag:s29], $0xA00  }
0xa5: {  	[sflag:s29] =	ssyncset.done $0x0  }
0xa6: {  	[sflag:s29] =	ssyncadd.s32 $0xFFFFF600  }
0xa7: {  	[spmem:s2] =	stream.indirect.scatter.add.f32 [tilespmem:s24], [sflag:$0x3], $0x1, s4, s23, $0xb8;
	[tilespmem:$0x6E00] =	vst v63  }
0xa8: {  	_ =	swait.ge [sflag:s21], $0xA00  }
0xa9: {  	[sflag:s21] =	ssyncset.done $0x0  }
0xaa: {  	[sflag:s21] =	ssyncadd.s32 $0xFFFFF600  }
0xab: {  	_ =	swait.ge [sflag:s30], $0xA00  }
0xac: {  	[sflag:s30] =	ssyncset.done $0x0  }
0xad: {  	[sflag:s30] =	ssyncadd.s32 $0xFFFFF600  }
0xae: {  	[spmem:s2] =	stream.indirect.scatter.add.f32 [tilespmem:s28], [sflag:$0x3], $0x1, s25, s23, $0xb8;
	[tilespmem:$0x6E00] =	vst v63  }
0xaf: {  	_ =	swait.ge [sflag:s21], $0xA00  }
0xb0: {  	s8 =	smul.u32 $0x19000, s15;
	s15 =	sadd.s32 $0x1, s15;
	[sflag:s21] =	ssyncset.done $0x0  }
0xb1: {  	s31 =	sshrl.u32 s12, $0x3;
	p0 =	sne.s32 s15, $0x8;
	[sflag:s21] =	ssyncadd.s32 $0xFFFFF600  }
0xb2: {  	s22 =	stileid.u32;
	s3 =	sadd.s32 s8, s14;
	[bflag:$0x0] =	sbarrier.arrive $0xFFFF  }
0xb3: {  	s5 =	sshll.u32 s22, $0x6;
	s3 =	sshrl.u32 s3, $0x3;
	s6 =	rddreg [dreg:$0x5]  }
.Ltmp2:
0xb4: {  	s5 =	sor.u32 $0x1C03, s5;
	s3 =	sadd.s32 s6, s3;
	(pc) =	sbr.rel @p0 .LBB2_4-.Ltmp2, $4  }
0xb5: {  	[hbm:s3], [sflag:s5] =	dma.local [spmem:s31], $0x190  }
0xb6: {  	_ =	swait.ge [sflag:s21], $0x190  }
0xb7: {  	s16 =	sadd.s32 $0x19000, s16;
	s17 =	sadd.s32 $0x19000, s17;
	[sflag:s21] =	ssyncset.done $0x0  }
0xb8: {  	s18 =	sadd.s32 $0x19000, s18;
	s19 =	sadd.s32 $0x19000, s19;
	[sflag:s21] =	ssyncadd.s32 $0xFFFFFE70  }
0xb9: {  	s3 =	rddreg [dreg:$0xc]  }
0xba: {  	s0 =	rddreg [dreg:$0x7];
	s3 =	sadd.s32 $0x1, s3  }
0xbb: {  	p0 =	sne.s32 s3, s0  }
.Ltmp3:
0xbc: {  	_ = 	snop;
	(pc) =	sbr.rel @p0 .LBB2_1-.Ltmp3, $1  }
0xbd: {  	_ =	sdelay $0x3  }
0xbe: {  	_ =	sfence.sel $0x180000  }
0xbf: {  	[bflag:$0x0] =	sbarrier.arrive $0xFFFF  }
0xc0: {  	_ =	strace $0x9000004A  }
0xc1: {  	s0 =	stileid.u32;
	[bflag:$0x2] =	sbarrier.arrive $0xFFFF  }
0xc2: {  	p0 =	sne.s32 s0, $0x0;
	s0 =	rddreg [dreg:$0x3]  }
0xc3: {  	s0 =	sadd.s32 @!p0 $0x100000, s0  }
0xc4: {  	[sflag:s0] =	ssyncadd.tile.s32 @!p0 $0x1;
	_ =	shalt  }
.Lfunc_end2:
_tile_overlayer_lowered:
.L_overlay_start_2:
0xc5: {  	(tag) =	ssettag $0x2  }
0xc6: {  	s0 =	rddreg [dreg:$0x0];
	s2 =	stileid.u32  }
0xc7: {  	s1 =	rddreg [dreg:$0x1];
	p0 =	sne.s32 s2, $0x0  }
0xc8: {  	s3 =	rddreg [dreg:$0x2];
	[bflag:$0x3] =	sbarrier.arrive $0xFFFF;
	s2 =	simm.s32 @!p0 $0x1C03  }
0xc9: {  	[timem:s3], [sflag:s2] =	dma.local @!p0 [hbm:s0], s1  }
0xca: {  	s0 =	simm.s32 @!p0 $0x3  }
0xcb: {  	_ =	swait.ge @!p0 [sflag:s0], s1  }
0xcc: {  	s1 =	ssub.s32 @!p0 $0x0, s1;
	[sflag:s0] =	ssyncset.done @!p0 $0x0  }
0xcd: {  	[sflag:s0] =	ssyncadd.s32 @!p0 s1  }
0xce: {  	[bflag:$0x3] =	sbarrier.arrive $0xFFFF  }
0xcf: {  	_ =	shalt  }

// kernel: kernel.7.cloned.1.call-start
scs
__scs_entry_jumppad:
0x0: {  	(pc) =	sbr.rel $0x88, $3  }
0x1: {  	(tag) =	ssettag $0x0;
	lr =	simm.s32 $0x1  }
0x2: {  	[smem:$0x3F91] =	sst lr;
	_ =	strace $0xD0000000  }
0x3: {  	_ = 	snop  }
0x4: {  	_ = 	snop  }
0x5: {  	_ = 	snop  }
0x6: {  	_ = 	snop  }
0x7: {  	_ = 	snop  }
__scs_overlays_trampoline_lowered:
0x8: {  	[smem:$0x3FA0] =	sst s0  }
0x9: {  	[smem:$0x3FA1] =	sst s1  }
0xa: {  	[smem:$0x3FA2] =	sst s2  }
0xb: {  	[smem:$0x3FA3] =	sst s3  }
0xc: {  	[smem:$0x3FA4] =	sst s4  }
0xd: {  	[smem:$0x3FA5] =	sst s5  }
0xe: {  	[smem:$0x3FA6] =	sst s6  }
0xf: {  	[smem:$0x3FA7] =	sst s7  }
0x10: {  	[smem:$0x3FA8] =	sst s8  }
0x11: {  	[smem:$0x3FA9] =	sst s9;
	s0 =	simm.s32 @!p0 $0x0  }
0x12: {  	s1 =	sld [smem:$0x3F8F];
	s0 =	simm.s32 @p0 $0x1  }
0x13: {  	[smem:$0x3FAA] =	sst s0;
	s0 =	simm.s32 @!p1 $0x0  }
0x14: {  	s2 =	sld [smem:$0x3F8E];
	s0 =	simm.s32 @p1 $0x1  }
0x15: {  	[smem:$0x3FAB] =	sst s0;
	s0 =	simm.s32 @!p2 $0x0  }
0x16: {  	s3 =	sld [smem:$0x3FDB];
	s0 =	simm.s32 @p2 $0x1  }
0x17: {  	s4 =	simm.s32 $0x1BF5;
	[smem:$0x3FAD] =	sst s0  }
0x18: {  	s0 =	sld [smem:$0x3F90];
	_ =	swait.ge [sflag:s4], $0x0  }
0x19: {  	s7 =	sld [smem:$0x3F91]  }
0x1a: {  	s8 =	sadd.s32 $0xFFFFE003, lr  }
0x1b: {  	s9 =	sadd.s32 $0xFFFFFEF7, lr;
	s5 =	simm.s32 $0xFFFFFFFF;
	p2 =	slt.u32 s8, $0xFFFFF086  }
0x1c: {  	p1 =	slt.u32 s9, $0xF7A;
	s5 =	simm.s32 @!p2 $0x0  }
0x1d: {  	s5 =	simm.s32 @p1 $0x1;
	p0 =	seq.s32 s7, s2  }
0x1e: {  	s7 =	smul.u32 @!p0 $0xF7A, s2;
	p2 =	seq.s32 @!p0 s5, $0x0  }
0x1f: {  	s9 =	smul.u32 $0xF7A, s1;
	s8 =	simm.s32 @!p0 $0x1BF5;
	p2 =	por !p2, p0  }
0x20: {  	[sflag:s8] =	ssyncset.s32 @!p0 $0xFFFFF086;
	s6 =	sadd.s32 @!p0 s3, s7;
	s7 =	simm.s32 @!p0 $0x108  }
0x21: {  	s3 =	sadd.s32 s3, s9;
	s6 =	sadd.s32 @!p0 $0x88, s6;
	s7 =	simm.s32 @p2 $0x1082  }
0x22: {  	[simem:s7], [sflag:s8] =	dma.local @!p0 [hbm:s6], $0xF7A  }
0x23: {  	s9 =	sor.u32 $0xD0000000, s2;
	s6 =	simm.s32 $0x108;
	_ =	swait.ge @!p0 [sflag:s8], $0x0  }
0x24: {  	s3 =	sadd.s32 $0x88, s3;
	s6 =	simm.s32 @!p1 $0x1082;
	[sflag:s4] =	ssyncset.s32 $0xFFFFF086  }
0x25: {  	[simem:s6], [sflag:s4] =	dma.local [hbm:s3], $0xF7A  }
0x26: {  	[smem:$0x3F91] =	sst s1;
	(tag) =	ssettag s2;
	_ =	strace s9  }
0x27: {  	s1 =	sld [smem:$0x3FA1]  }
0x28: {  	s2 =	sld [smem:$0x3FA2]  }
0x29: {  	s4 =	sld [smem:$0x3FA4]  }
0x2a: {  	p0 =	seq.s32 s5, $0x0;
	s5 =	sld [smem:$0x3FA5]  }
0x2b: {  	s6 =	sld [smem:$0x3FA6]  }
0x2c: {  	s7 =	sld [smem:$0x3FA7]  }
0x2d: {  	s3 =	simm.s32 $0x108;
	s8 =	sld [smem:$0x3FA8]  }
0x2e: {  	s3 =	simm.s32 @!p0 $0x1082;
	s9 =	sld [smem:$0x3FA9]  }
0x2f: {  	lr =	sadd.s32 s0, s3;
	s0 =	sld [smem:$0x3FA0]  }
0x30: {  	s3 =	sld [smem:$0x3FA3]  }
0x31: {  	[smem:$0x3FAC] =	sst s10  }
0x32: {  	s10 =	sld [smem:$0x3FAA];
	_ =	sdelay $0x3  }
0x33: {  	p0 =	seq.s32 s10, $0x1;
	s10 =	sld [smem:$0x3FAC];
	_ =	sdelay $0x3  }
0x34: {  	[smem:$0x3FAC] =	sst s10  }
0x35: {  	s10 =	sld [smem:$0x3FAB];
	_ =	sdelay $0x3  }
0x36: {  	p1 =	seq.s32 s10, $0x1;
	s10 =	sld [smem:$0x3FAC];
	_ =	sdelay $0x3  }
0x37: {  	[smem:$0x3FAC] =	sst s10  }
0x38: {  	s10 =	sld [smem:$0x3FAD]  }
0x39: {  	_ = 	snop;
	(pc) =	sbr.ind lr, $3  }
0x3a: {  	_ = 	snop  }
0x3b: {  	_ = 	snop  }
0x3c: {  	p2 =	seq.s32 s10, $0x1;
	s10 =	sld [smem:$0x3FAC]  }
0x3d: {  	_ =	shalt  }
0x3e: {  	_ =	shalt  }
0x3f: {  	_ =	shalt  }
0x40: {  	_ =	shalt  }
0x41: {  	_ =	shalt  }
0x42: {  	_ =	shalt  }
0x43: {  	_ =	shalt  }
0x44: {  	_ =	shalt  }
0x45: {  	_ =	shalt  }
0x46: {  	_ =	shalt  }
0x47: {  	_ =	shalt  }
0x48: {  	_ =	shalt  }
0x49: {  	_ =	shalt  }
0x4a: {  	_ =	shalt  }
0x4b: {  	_ =	shalt  }
0x4c: {  	_ =	shalt  }
0x4d: {  	_ =	shalt  }
0x4e: {  	_ =	shalt  }
0x4f: {  	_ =	shalt  }
0x50: {  	_ =	shalt  }
0x51: {  	_ =	shalt  }
0x52: {  	_ =	shalt  }
0x53: {  	_ =	shalt  }
0x54: {  	_ =	shalt  }
0x55: {  	_ =	shalt  }
0x56: {  	_ =	shalt  }
0x57: {  	_ =	shalt  }
0x58: {  	_ =	shalt  }
0x59: {  	_ =	shalt  }
0x5a: {  	_ =	shalt  }
0x5b: {  	_ =	shalt  }
0x5c: {  	_ =	shalt  }
0x5d: {  	_ =	shalt  }
0x5e: {  	_ =	shalt  }
0x5f: {  	_ =	shalt  }
0x60: {  	_ =	shalt  }
0x61: {  	_ =	shalt  }
0x62: {  	_ =	shalt  }
0x63: {  	_ =	shalt  }
0x64: {  	_ =	shalt  }
0x65: {  	_ =	shalt  }
0x66: {  	_ =	shalt  }
0x67: {  	_ =	shalt  }
0x68: {  	_ =	shalt  }
0x69: {  	_ =	shalt  }
0x6a: {  	_ =	shalt  }
0x6b: {  	_ =	shalt  }
0x6c: {  	_ =	shalt  }
0x6d: {  	_ =	shalt  }
0x6e: {  	_ =	shalt  }
0x6f: {  	_ =	shalt  }
0x70: {  	_ =	shalt  }
0x71: {  	_ =	shalt  }
0x72: {  	_ =	shalt  }
0x73: {  	_ =	shalt  }
0x74: {  	_ =	shalt  }
0x75: {  	_ =	shalt  }
0x76: {  	_ =	shalt  }
0x77: {  	_ =	shalt  }
0x78: {  	_ =	shalt  }
0x79: {  	_ =	shalt  }
0x7a: {  	_ =	shalt  }
0x7b: {  	_ =	shalt  }
0x7c: {  	_ =	shalt  }
0x7d: {  	_ =	shalt  }
0x7e: {  	_ =	shalt  }
0x7f: {  	_ =	shalt  }
0x80: {  	_ =	shalt  }
0x81: {  	_ =	shalt  }
0x82: {  	_ =	shalt  }
0x83: {  	_ =	shalt  }
0x84: {  	_ =	shalt  }
0x85: {  	_ =	shalt  }
0x86: {  	_ =	shalt  }
0x87: {  	_ =	shalt  }
.Lfunc_end0:
.L_simem_size_0:
called_computation_lowered:
.L_overlay_start_0:
0x88: {  	s2 =	sld [smem:$0x3FD9]  }
0x89: {  	s3 =	sld [smem:$0x3FFE];
	_ =	sdelay $0x1  }
0x8a: {  	s1 =	srdreg.scid  }
0x8b: {  	s0 =	sand.u32 $0x1, s1  }
0x8c: {  	s16 =	sshll.u32 s0, $0xA;
	s2 =	sadd.s32 s3, s2  }
0x8d: {  	s2 =	sadd.s32 s2, s16  }
0x8e: {  	[smem:$0x3FB8] =	sst s2  }
0x8f: {  	_ = 	snop  }
0x90: {  	(tm) =	ssettm $0x1  }
0x91: {  	s17 =	sld [smem:$0x3FFB];
	_ =	sdelay $0x3  }
0x92: {  	_ =	strace s17  }
0x93: {  	s2 =	sld [smem:$0x3FFC];
	_ =	sdelay $0x3  }
0x94: {  	_ =	strace s2  }
0x95: {  	s2 =	sld [smem:$0x3FFD];
	_ =	sdelay $0x3  }
0x96: {  	_ =	strace s2  }
0x97: {  	_ =	strace $0x8FFFFFFF  }
0x98: {  	s18 =	sld [smem:$0x3FDB];
	_ =	sdelay $0x1  }
0x99: {  	s19 =	simm.s32 $_scs_section_size  }
0x9a: {  	s4 =	simm.s32 $_size__tile_overlayer_lowered;
	s5 =	simm.s32 $_tile_overlayer_lowered  }
0x9b: {  	s22 =	simm.s32 $0x1BFF;
	s21 =	sshll.u32 s5, $0x1;
	s2 =	sadd.s32 s19, s18  }
0x9c: {  	s6 =	simm.s32 $0x0;
	s20 =	sshll.u32 s4, $0x1;
	s4 =	sadd.s32 s21, s2  }
0x9d: {  	[timem:s6], [sflag:s22] =	dma.local [hbm:s4], s20  }
0x9e: {  	_ =	swait.ge [sflag:s22], s20  }
0x9f: {  	s3 =	ssub.s32 $0x0, s20;
	[sflag:s22] =	ssyncset.done $0x0  }
0xa0: {  	[sflag:s22] =	ssyncadd.s32 s3;
	_ =	sdelay $0x1  }
0xa1: {  	s23 =	simm.s32 $0x1B8B  }
0xa2: {  	_ =	swait.ge [sflag:s23], $0x1  }
0xa3: {  	[sflag:s23] =	ssyncset.done $0x0  }
0xa4: {  	s25 =	simm.s32 $0x1B8E;
	s24 =	sld [smem:$0x3FFE];
	[sflag:s23] =	ssyncadd.s32 $0xFFFFFFFF  }
0xa5: {  	s26 =	simm.s32 $execute0_lowered;
	[smem:$0x3FD2] =	sst s25  }
0xa6: {  	s4 =	sshll.u32 s26, $0x1;
	_ =	strace $0x80000046;
	[dreg:$0x1] =	wrdreg $0xFFFFFFFF  }
0xa7: {  	s28 =	simm.s32 $_size_execute0_lowered;
	s2 =	sadd.s32 s2, s4;
	[dreg:$0x0] =	wrdreg $0x0  }
0xa8: {  	s4 =	sshll.u32 s28, $0x1;
	[dreg:$0x2] =	wrdreg s2  }
0xa9: {  	[dreg:$0x3] =	wrdreg s4  }
0xaa: {  	[dreg:$0x4] =	wrdreg $0xC0  }
0xab: {  	_ =	task [dreg:s6], $0x5FFFF  }
0xac: {  	[dreg:$0x1] =	wrdreg $0xFFFFFFFF  }
0xad: {  	[dreg:$0x0] =	wrdreg $0x60  }
0xae: {  	[dreg:$0x2] =	wrdreg s24  }
0xaf: {  	[dreg:$0x3] =	wrdreg $0x19A000  }
0xb0: {  	[dreg:$0x4] =	wrdreg $0x9  }
0xb1: {  	_ =	task.clear_ibuf [dreg:s6], $0x5FFFF;
	_ =	strace $0x90000046  }
0xb2: {  	s29 =	simm.s32 $0x9;
	_ =	strace $0x80000048  }
0xb3: {  	_ =	swait.ge [sflag:s29], $0x1  }
0xb4: {  	[sflag:s29] =	ssyncadd.s32 $0xFFFFFFFF  }
0xb5: {  	_ =	strace $0x90000048  }
0xb6: {  	_ =	sfence  }
0xb7: {  	s30 =	sld [smem:$0x0];
	_ =	sdelay $0x2  }
0xb8: {  	s31 =	sshll.u32 s1, $0xD;
	s1 =	sshrl.u32 s1, $0x2  }
0xb9: {  	s3 =	sand.u32 $0x4000, s31;
	s1 =	sadd.s32 s1, s30  }
0xba: {  	s0 =	sor.u32 s3, s0;
	s1 =	sshll.u32 s1, $0x11  }
0xbb: {  	s0 =	sor.u32 s1, s0  }
0xbc: {  	s0 =	sadd.s32 $0x8F2B, s0  }
0xbd: {  	[sflag:s0] =	ssyncadd.remote.s32 $0x1  }
0xbe: {  	_ =	sfence.sel $0xFFFF  }
0xbf: {  	[dreg:$0x0] =	wrdreg $0xFFFFFFFF;
	(pc) =	sbr.abs _section_cstart, $3  }
0xc0: {  	[dreg:$0x1] =	wrdreg $0xFFFFFFFF  }
0xc1: {  	_ =	task.clear_ibuf [dreg:s6], $0x2FFFF;
	_ =	strace $0x9FFFFFFF  }
0xc2: {  	(tm) =	ssettm $0x7FFFFFFF  }
0xc3: {  	_ =	shalt  }
tec
execute0_lowered:
.L_overlay_start_1:
0x0: {  	(tag) =	ssettag $0x1  }
0x1: {  	s0 =	rddreg [dreg:$0x0]  }
0x2: {  	s1 =	rddreg [dreg:$0x1]  }
0x3: {  	s2 =	simm.s32 $0x0;
	s3 =	srdreg.scid;
	s15 =	simm.s32 $0x16800  }
0x4: {  	s16 =	simm.s32 $0x3;
	s17 =	simm.s32 $0xA00;
	s18 =	simm.s32 $0x1400  }
0x5: {  	s19 =	simm.s32 $0xB400;
	s20 =	simm.s32 $0xBE00;
	s21 =	simm.s32 $0xC800  }
0x6: {  	s22 =	simm.s32 $0x1;
	s23 =	simm.s32 $0x2;
	s7 =	sand.u32 $0x1, s3  }
0x7: {  	s24 =	simm.s32 $0x0;
	s3 =	stileid.u32;
	s14 =	smul.u32 $0x6400, s7  }
0x8: {  	[smem:$0x7FF] =	sst s2;
	s4 =	sadd.s32 $0x3A00, s0;
	s8 =	smul.u32 $0x19000, s3  }
0x9: {  	s5 =	sadd.s32 $0xCBA00, s0;
	s6 =	sadd.s32 $0x193A00, s0;
	s12 =	smul.u32 $0x640, s3  }
0xa: {  	_ =	strace $0x80000047;
	s9 =	ssub.s32 $0x2, s7;
	s7 =	smul.u32 $0xC800, s3  }
0xb: {  	s10 =	sshrl.u32 s9, $0x1;
	s11 =	sshrl.u32 s8, $0x2;
	s8 =	sadd.s32 $0x25BA00, s0  }
0xc: {  	s31 =	ssub.s32 s9, s10;
	s13 =	sadd.s32 s12, s14;
	s12 =	sadd.s32 $0x1400, s7  }
0xd: {  	s9 =	sadd.s32 s11, s1;
	s11 =	sadd.s32 $0xA00, s7;
	s0 =	smax.u32 s31, $0x1  }
0xe: {  	v1 =	vimm.f32 $0.0e+00;
	v0 =	vmov s14;
	s13 =	sshll.u32 s13, $0x4;
	s10 =	sadd.s32 $0x3200, s9;
	[dreg:$0x4] =	wrdreg s0  }
.LBB2_1:
0xf: {  	[dreg:$0x3] =	wrdreg s2;
	s0 =	simm.s32 $0x40;
	s14 =	simm.s32 $0x0  }
.LBB2_2:
0x10: {  	p0 =	sne.s32 s0, $0xC7C0;
	[tilespmem:s14+$0x16800] =	vst v1;
	s14 =	smov.u32 s0;
	s0 =	sadd.s32 $0x40, s0  }
.Ltmp0:
0x11: {  	(pc) =	sbr.rel @p0 .LBB2_2-.Ltmp0, $2  }
0x12: {  	_ =	sdelay $0x2  }
0x13: {  	s14 =	sshra.s32 s14, $0x2  }
0x14: {  	[tilespmem:s14+$0x16800] =	vst v1;
	s25 =	simm.s32 $0x0  }
.LBB2_4:
0x15: {  	[spmem:s9] =	stream.linear.scatter [tilespmem:s15], [sflag:$0x3], $0x3200, $0x38;
	[tilespmem:$0x1FF08] =	vst v63  }
0x16: {  	_ =	swait.ge [sflag:s16], $0x3200  }
0x17: {  	[sflag:s16] =	ssyncset.done $0x0  }
0x18: {  	s26 =	smul.u32 $0xC8000, s25;
	[sflag:s16] =	ssyncadd.s32 $0xFFFFCE00  }
0x19: {  	[spmem:s10] =	stream.linear.scatter [tilespmem:s15], [sflag:$0x3], $0x3200, $0x38;
	[tilespmem:$0x1FF08] =	vst v63  }
0x1a: {  	_ =	swait.ge [sflag:s16], $0x3200  }
0x1b: {  	s0 =	sadd.s32 s7, s26;
	[sflag:s16] =	ssyncset.done $0x0  }
0x1c: {  	s0 =	sshrl.u32 s0, $0x3;
	[sflag:s16] =	ssyncadd.s32 $0xFFFFCE00  }
0x1d: {  	s14 =	sadd.s32 s5, s0;
	[bflag:$0x0] =	sbarrier.arrive $0xFFFF  }
0x1e: {  	[tilespmem:s24], [sflag:$0x3] =	stream.linear.gather [hbm4b:s14+s24], $0xA00, $0x38;
	[tilespmem:$0x1FF08] =	vst v63  }
0x1f: {  	_ =	swait.ge [sflag:s16], $0xA00  }
0x20: {  	[sflag:s16] =	ssyncset.done $0x0  }
0x21: {  	s0 =	sadd.s32 s6, s0;
	[sflag:s16] =	ssyncadd.s32 $0xFFFFF600  }
0x22: {  	[tilespmem:s17], [sflag:$0x3] =	stream.linear.gather [hbm4b:s0+s24], $0xA00, $0x38;
	[tilespmem:$0x1FF08] =	vst v63  }
0x23: {  	_ =	swait.ge [sflag:s16], $0xA00  }
0x24: {  	s30 =	simm.s32 $0x0;
	[sflag:s16] =	ssyncset.done $0x0  }
0x25: {  	s28 =	sadd.s32 s11, s26;
	s29 =	sadd.s32 s12, s26;
	[sflag:s16] =	ssyncadd.s32 $0xFFFFF600  }
0x26: {  	[tilespmem:s18], [sflag:$0x1] =	stream.indirect.gather [hbm4b:s4+s17], $0x10, s24, s17, $0xb8;
	[tilespmem:$0x1FF08] =	vst v63  }
.LBB2_5:
0x27: {  	s31 =	smul.u32 $0x1400, s30;
	_ =	sdelay $0x1  }
0x28: {  	s0 =	sadd.s32 s31, s28  }
0x29: {  	s0 =	sshrl.u32 s0, $0x3  }
0x2a: {  	s2 =	simm.s32 $0x0;
	s14 =	sadd.s32 s5, s0  }
0x2b: {  	[tilespmem:s19], [sflag:$0x3] =	stream.linear.gather [hbm4b:s14+s2], $0xA00, $0x38;
	[tilespmem:$0x1FF08] =	vst v63  }
0x2c: {  	_ =	swait.ge [sflag:s16], $0xA00  }
0x2d: {  	[sflag:s16] =	ssyncset.done $0x0  }
0x2e: {  	s0 =	sadd.s32 s6, s0;
	[sflag:s16] =	ssyncadd.s32 $0xFFFFF600  }
0x2f: {  	[tilespmem:s20], [sflag:$0x3] =	stream.linear.gather [hbm4b:s0+s2], $0xA00, $0x38;
	[tilespmem:$0x1FF08] =	vst v63  }
0x30: {  	_ =	swait.ge [sflag:s16], $0xA00  }
0x31: {  	[sflag:s16] =	ssyncset.done $0x0  }
0x32: {  	s14 =	simm.s32 $0x40;
	s0 =	simm.s32 $0x0;
	[sflag:s16] =	ssyncadd.s32 $0xFFFFF600  }
0x33: {  	[tilespmem:s21], [sflag:$0x2] =	stream.indirect.gather [hbm4b:s4+s17], $0x10, s19, s17, $0xb8;
	[tilespmem:$0x1FF08] =	vst v63  }
.LBB2_6:
0x34: {  	p0 =	sne.s32 s14, $0x27C0;
	v2 =	vld [tilespmem:s0+$0xA00];
	_ =	sdelay $0x3  }
.Ltmp1:
0x35: {  	(pc) =	sbr.rel @p0 .LBB2_6-.Ltmp1, $4  }
0x36: {  	v3 =	vsub.s32 v2, v0;
	v2 =	vand.u32 $0xFF, v2  }
0x37: {  	vm0 =	vlt.u32 v3, $0x6400;
	v2 =	vor.u32 $0x6400, v2  }
0x38: {  	v2 =	vsel vm0, v3, v2  }
0x39: {  	[tilespmem:s0+$0xA00] =	vst v2;
	s0 =	sshra.s32 s14, $0x2;
	s14 =	sadd.s32 $0x40, s14  }
0x3a: {  	v2 =	vld [tilespmem:s0+$0xA00];
	_ =	sdelay $0x4  }
0x3b: {  	v3 =	vsub.s32 v2, v0;
	v2 =	vand.u32 $0xFF, v2  }
0x3c: {  	vm0 =	vlt.u32 v3, $0x6400;
	v2 =	vor.u32 $0x6400, v2  }
0x3d: {  	v2 =	vsel vm0, v3, v2  }
0x3e: {  	[tilespmem:s0+$0xA00] =	vst v2  }
0x3f: {  	_ =	swait.ge [sflag:s22], $0xA000  }
0x40: {  	[sflag:s22] =	ssyncset.done $0x0  }
0x41: {  	p0 =	seq.s32 s30, $0x9;
	[sflag:s22] =	ssyncadd.s32 $0xFFFF6000  }
0x42: {  	[spmem:s1] =	stream.indirect.scatter.add.f32 [tilespmem:s18], [sflag:$0x3], $0x10, s17, s17, $0xb8;
	[tilespmem:$0x1FF08] =	vst v63  }
0x43: {  	s0 =	sadd.s32 @!p0 s31, s29;
	_ =	swait.ge [sflag:s16], $0xA000  }
0x44: {  	s0 =	sshrl.u32 @!p0 s0, $0x3;
	[sflag:s16] =	ssyncset.done $0x0  }
0x45: {  	s14 =	simm.s32 @!p0 $0x0;
	s2 =	sadd.s32 @!p0 s5, s0;
	[sflag:s16] =	ssyncadd.s32 $0xFFFF6000  }
0x46: {  	[tilespmem:s14], [sflag:$0x3] =	stream.linear.gather @!p0 [hbm4b:s2+s14], $0xA00, $0x38;
	[tilespmem:$0x1FF08] =	vst v63  }
0x47: {  	s2 =	simm.s32 @!p0 $0x3  }
0x48: {  	_ =	swait.ge @!p0 [sflag:s2], $0xA00  }
0x49: {  	[sflag:s2] =	ssyncset.done @!p0 $0x0  }
0x4a: {  	s31 =	simm.s32 @!p0 $0xA00;
	s0 =	sadd.s32 @!p0 s6, s0;
	[sflag:s2] =	ssyncadd.s32 @!p0 $0xFFFFF600  }
0x4b: {  	[tilespmem:s31], [sflag:$0x3] =	stream.linear.gather @!p0 [hbm4b:s0+s14], $0xA00, $0x38;
	[tilespmem:$0x1FF08] =	vst v63  }
0x4c: {  	_ =	swait.ge @!p0 [sflag:s2], $0xA00  }
0x4d: {  	[sflag:s2] =	ssyncset.done @!p0 $0x0  }
0x4e: {  	s0 =	simm.s32 @!p0 $0x1400;
	[sflag:s2] =	ssyncadd.s32 @!p0 $0xFFFFF600  }
0x4f: {  	[tilespmem:s0], [sflag:$0x1] =	stream.indirect.gather @!p0 [hbm4b:s4+s31], $0x10, s14, s31, $0xb8;
	[tilespmem:$0x1FF08] =	vst v63  }
0x50: {  	s30 =	sadd.s32 $0x1, s30;
	s0 =	simm.s32 $0x0;
	s14 =	simm.s32 $0x40  }
.LBB2_8:
0x51: {  	p0 =	sne.s32 s14, $0x27C0;
	v2 =	vld [tilespmem:s0+$0xBE00];
	_ =	sdelay $0x3  }
.Ltmp2:
0x52: {  	(pc) =	sbr.rel @p0 .LBB2_8-.Ltmp2, $4  }
0x53: {  	v3 =	vsub.s32 v2, v0;
	v2 =	vand.u32 $0xFF, v2  }
0x54: {  	vm0 =	vlt.u32 v3, $0x6400;
	v2 =	vor.u32 $0x6400, v2  }
0x55: {  	v2 =	vsel vm0, v3, v2  }
0x56: {  	[tilespmem:s0+$0xBE00] =	vst v2;
	s0 =	sshra.s32 s14, $0x2;
	s14 =	sadd.s32 $0x40, s14  }
0x57: {  	v2 =	vld [tilespmem:s0+$0xBE00];
	_ =	sdelay $0x4  }
0x58: {  	v3 =	vsub.s32 v2, v0;
	v2 =	vand.u32 $0xFF, v2  }
0x59: {  	vm0 =	vlt.u32 v3, $0x6400;
	v2 =	vor.u32 $0x6400, v2  }
0x5a: {  	v2 =	vsel vm0, v3, v2  }
0x5b: {  	[tilespmem:s0+$0xBE00] =	vst v2  }
0x5c: {  	_ =	swait.ge [sflag:s23], $0xA000  }
0x5d: {  	p0 =	sne.s32 s30, $0xA;
	[sflag:s23] =	ssyncset.done $0x0  }
.Ltmp3:
0x5e: {  	[sflag:s23] =	ssyncadd.s32 $0xFFFF6000;
	(pc) =	sbr.rel @p0 .LBB2_5-.Ltmp3, $4  }
0x5f: {  	[spmem:s1] =	stream.indirect.scatter.add.f32 [tilespmem:s21], [sflag:$0x3], $0x10, s20, s17, $0xb8;
	[tilespmem:$0x1FF08] =	vst v63  }
0x60: {  	_ =	swait.ge [sflag:s16], $0xA000  }
0x61: {  	[sflag:s16] =	ssyncset.done $0x0  }
0x62: {  	[sflag:s16] =	ssyncadd.s32 $0xFFFF6000  }
0x63: {  	s0 =	sadd.s32 s13, s26  }
0x64: {  	[bflag:$0x0] =	sbarrier.arrive $0xFFFF;
	s2 =	sshll.u32 s3, $0x6;
	s25 =	sadd.s32 $0x1, s25  }
0x65: {  	s14 =	sshrl.u32 s9, $0x3;
	s0 =	sshrl.u32 s0, $0x3;
	p0 =	sne.s32 s25, $0x8  }
.Ltmp4:
0x66: {  	s2 =	sor.u32 $0x1C03, s2;
	s0 =	sadd.s32 s8, s0;
	(pc) =	sbr.rel @p0 .LBB2_4-.Ltmp4, $4  }
0x67: {  	[hbm:s0], [sflag:s2] =	dma.local [spmem:s14], $0xC80  }
0x68: {  	_ =	swait.ge [sflag:s16], $0xC80  }
0x69: {  	[sflag:s16] =	ssyncset.done $0x0  }
0x6a: {  	[sflag:s16] =	ssyncadd.s32 $0xFFFFF380  }
0x6b: {  	s2 =	rddreg [dreg:$0x3]  }
0x6c: {  	s0 =	rddreg [dreg:$0x4];
	s2 =	sadd.s32 $0x1, s2  }
0x6d: {  	p0 =	sne.s32 s2, s0  }
.Ltmp5:
0x6e: {  	_ = 	snop;
	(pc) =	sbr.rel @p0 .LBB2_1-.Ltmp5, $1  }
0x6f: {  	_ =	sdelay $0x3  }
0x70: {  	_ =	sfence.sel $0x180000  }
0x71: {  	[bflag:$0x0] =	sbarrier.arrive $0xFFFF  }
0x72: {  	_ =	strace $0x90000047  }
0x73: {  	[bflag:$0x2] =	sbarrier.arrive $0xFFFF  }
0x74: {  	p0 =	sne.s32 s3, $0x0;
	s0 =	rddreg [dreg:$0x2]  }
0x75: {  	s0 =	sadd.s32 @!p0 $0x100000, s0  }
0x76: {  	[sflag:s0] =	ssyncadd.tile.s32 @!p0 $0x1;
	_ =	shalt  }
.Lfunc_end2:
_tile_overlayer_lowered:
.L_overlay_start_2:
0x77: {  	(tag) =	ssettag $0x2  }
0x78: {  	s0 =	rddreg [dreg:$0x0];
	s2 =	stileid.u32  }
0x79: {  	s1 =	rddreg [dreg:$0x1];
	p0 =	sne.s32 s2, $0x0  }
0x7a: {  	s3 =	rddreg [dreg:$0x2];
	[bflag:$0x3] =	sbarrier.arrive $0xFFFF;
	s2 =	simm.s32 @!p0 $0x1C03  }
0x7b: {  	[timem:s3], [sflag:s2] =	dma.local @!p0 [hbm:s0], s1  }
0x7c: {  	s0 =	simm.s32 @!p0 $0x3  }
0x7d: {  	_ =	swait.ge @!p0 [sflag:s0], s1  }
0x7e: {  	s1 =	ssub.s32 @!p0 $0x0, s1;
	[sflag:s0] =	ssyncset.done @!p0 $0x0  }
0x7f: {  	[sflag:s0] =	ssyncadd.s32 @!p0 s1  }
0x80: {  	[bflag:$0x3] =	sbarrier.arrive $0xFFFF  }
0x81: {  	_ =	shalt  }

</sc_bundles>
